<compile_context>
chip_gen: v7x
topology: tpu7x:2x2x1
jax: 0.10.2.dev20260603
libtpu: 0.0.44.dev20260713+nightly
codegen_flags: <defaults>
</compile_context>

<pallas_src>
import dataclasses
import functools

import jax
import jax.numpy as jnp
from jax import lax
from jax.experimental import pallas as pl
from jax.experimental.pallas import tpu as pltpu
from jax.experimental.pallas import tpu_sc as plsc

_Q = 512
_K = 100000
_D = 256
_KNN = 16
_H = 4
_CTX = 256
_W = 512
_B = 196
_KP = _B * _W
_BPAD = 208
_NTILES = 32
_QPT = _Q // _NTILES


def _keys_body(p_ref, mem_ref, m2_ref, p2_ref, keys_ref, bmin_ref):
    b = pl.program_id(0)
    mem = mem_ref[...]
    pm = lax.dot_general(p_ref[...], mem, (((1,), (1,)), ((), ())),
                         preferred_element_type=jnp.float32)
    keys = (p2_ref[...] + m2_ref[...]) - 2.0 * pm
    col = b * _W + lax.broadcasted_iota(jnp.int32, keys.shape, 1)
    keys = jnp.where(col < _K, keys, jnp.inf)
    keys_ref[...] = keys
    bmin_ref[...] = jnp.min(keys, axis=1, keepdims=True).reshape(1, 1, _Q)


def _keys_stage(p_t, memory, m2, p2):
    return pl.pallas_call(
        _keys_body,
        grid=(_B,),
        in_specs=[
            pl.BlockSpec((_Q, _D), lambda b: (0, 0)),
            pl.BlockSpec((_W, _D), lambda b: (b, 0)),
            pl.BlockSpec((1, _W), lambda b: (0, b)),
            pl.BlockSpec((_Q, 1), lambda b: (0, 0)),
        ],
        out_specs=[
            pl.BlockSpec((_Q, _W), lambda b: (0, b)),
            pl.BlockSpec((1, 1, _Q), lambda b: (b, 0, 0)),
        ],
        out_shape=[
            jax.ShapeDtypeStruct((_Q, _KP), jnp.float32),
            jax.ShapeDtypeStruct((_B, 1, _Q), jnp.float32),
        ],
    )(p_t, memory, m2, p2)


def _merge16(best_v, best_p, v, p):
    sv, sp = plsc.sort_key_val(v, p)
    rv = lax.rev(sv, (0,))
    rp = lax.rev(sp, (0,))
    m = best_v <= rv
    lo_v = jnp.where(m, best_v, rv)
    lo_p = jnp.where(m, best_p, rp)
    out_v, out_p = plsc.sort_key_val(lo_v, lo_p)
    return out_v, out_p


def _retrieve_stage(bmins_pad, keys_flat, memory):
    mesh = plsc.VectorSubcoreMesh(core_axis_name="c", subcore_axis_name="s")
    cp = pltpu.CompilerParams()
    if "needs_layout_passes" in pltpu.CompilerParams.__dataclass_fields__:
        cp = dataclasses.replace(cp, needs_layout_passes=False)

    @functools.partial(
        pl.kernel,
        mesh=mesh,
        compiler_params=cp,
        out_type=jax.ShapeDtypeStruct((_Q * _KNN, _D), jnp.float32),
        scratch_types=[
            pltpu.VMEM((_BPAD,), jnp.float32),
            pltpu.VMEM((_KNN,), jnp.int32),
            pltpu.VMEM((_KNN, _W), jnp.float32),
            pltpu.VMEM((_KNN,), jnp.int32),
            pltpu.VMEM((_KNN,), jnp.int32),
            pltpu.VMEM((_KNN, _D), jnp.float32),
            pltpu.SemaphoreType.DMA,
        ],
    )
    def sc_kernel(bmins_hbm, keys_hbm, mem_hbm, out_hbm,
                  brow_v, cand_v, ckeys_v, bpos_v, kidx_v, rows_v, sem):
        wid = lax.axis_index("s") * 2 + lax.axis_index("c")
        iota16 = lax.iota(jnp.int32, 16)
        inf16 = jnp.full((16,), jnp.inf, jnp.float32)
        zero16 = jnp.zeros((16,), jnp.int32)

        @pl.loop(0, _QPT)
        def _per_query(qi):
            q = wid * _QPT + qi
            pltpu.sync_copy(bmins_hbm.at[q], brow_v)

            def sel_step(c, carry):
                bv, bp = carry
                v = brow_v[pl.ds(c * 16, 16)]
                pos = c * 16 + iota16
                return _merge16(bv, bp, v, pos)

            bv, bp = lax.fori_loop(0, _BPAD // 16, sel_step, (inf16, zero16))
            bpos_v[...] = bp
            cand_v[...] = q * _B + bp

            pltpu.async_copy(keys_hbm.at[cand_v], ckeys_v, sem).wait()

            def scan_block(blk, carry0):
                def chunk_step(j, carry):
                    bv2, bp2 = carry
                    v = ckeys_v[blk, pl.ds(j * 16, 16)]
                    thr = jnp.max(bv2)
                    hit = jnp.any(v < thr)
                    pos = blk * _W + j * 16 + iota16

                    def do(op):
                        return _merge16(*op)

                    def skip(op):
                        return op[0], op[1]

                    return lax.cond(hit, do, skip, (bv2, bp2, v, pos))

                return lax.fori_loop(0, _W // 16, chunk_step, carry0)

            bv2, bp2 = lax.fori_loop(0, _KNN, scan_block, (inf16, zero16))

            slot = lax.shift_right_logical(bp2, 9)
            off = jnp.bitwise_and(bp2, _W - 1)
            blkid = plsc.load_gather(bpos_v, [slot])
            kidx_v[...] = blkid * _W + off

            pltpu.async_copy(mem_hbm.at[kidx_v], rows_v, sem).wait()
            pltpu.sync_copy(rows_v, out_hbm.at[pl.ds(q * _KNN, _KNN)])

    return sc_kernel(bmins_pad, keys_flat, memory)


def _attn_body(p_ref, ret_ref, wq_ref, bq_ref, wk_ref, bk_ref, wv_ref, bv_ref,
               wo_ref, bo_ref, w1_ref, b1_ref, w2_ref, b2_ref, out_ref):
    nt = (((1,), (1,)), ((), ()))
    p = p_ref[...]
    ret = ret_ref[...]
    q = lax.dot_general(p, wq_ref[...], nt,
                        preferred_element_type=jnp.float32) + bq_ref[...]
    kk = lax.dot_general(ret, wk_ref[...], nt,
                         preferred_element_type=jnp.float32) + bk_ref[...]
    vv = lax.dot_general(ret, wv_ref[...], nt,
                         preferred_element_type=jnp.float32) + bv_ref[...]
    dh = _D // _H
    ctxs = []
    for h in range(_H):
        qh = q[:, h * dh:(h + 1) * dh]
        kh = kk[:, h * dh:(h + 1) * dh].reshape(_Q, _KNN, dh)
        vh = vv[:, h * dh:(h + 1) * dh].reshape(_Q, _KNN, dh)
        s = jnp.sum(qh[:, None, :] * kh, axis=2) * (1.0 / (dh ** 0.5))
        s = s - jnp.max(s, axis=1, keepdims=True)
        e = jnp.exp(s)
        a = e / jnp.sum(e, axis=1, keepdims=True)
        ctxs.append(jnp.sum(a[:, :, None] * vh, axis=1))
    ctx = jnp.concatenate(ctxs, axis=1)
    att = lax.dot_general(ctx, wo_ref[...], nt,
                          preferred_element_type=jnp.float32) + bo_ref[...]
    h1 = jnp.maximum(
        lax.dot_general(att, w1_ref[...], nt,
                        preferred_element_type=jnp.float32) + b1_ref[...], 0.0)
    out_ref[...] = lax.dot_general(
        h1, w2_ref[...], nt,
        preferred_element_type=jnp.float32) + b2_ref[...]


def _attn_stage(p_t, retrieved, Wq, bq, Wk, bk, Wv, bv, Wo, bo, W1, b1, W2, b2):
    return pl.pallas_call(
        _attn_body,
        out_shape=jax.ShapeDtypeStruct((_Q, _CTX), jnp.float32),
    )(p_t, retrieved, Wq, bq.reshape(1, -1), Wk, bk.reshape(1, -1),
      Wv, bv.reshape(1, -1), Wo, bo.reshape(1, -1), W1, b1.reshape(1, -1),
      W2, b2.reshape(1, -1))


def kernel(p_t, memory, Wq, bq, Wk, bk, Wv, bv, Wo, bo, W1, b1, W2, b2):
    m2 = jnp.sum(memory * memory, axis=-1)[None, :]
    p2 = jnp.sum(p_t * p_t, axis=-1, keepdims=True)
    keys, bmins_t = _keys_stage(p_t, memory, m2, p2)
    bmins = bmins_t.reshape(_B, _Q).T
    bmins_pad = jnp.pad(bmins, ((0, 0), (0, _BPAD - _B)),
                        constant_values=jnp.inf)
    keys_flat = keys.reshape(_Q * _B, _W)
    retrieved = _retrieve_stage(bmins_pad, keys_flat, memory)
    return _attn_stage(p_t, retrieved, Wq, bq, Wk, bk, Wv, bv, Wo, bo,
                       W1, b1, W2, b2)

# --- scband reference (transcript-rebuilt; emitter-appended) ---
"""Pipeline reference for scband-episodic-retrieval-72164040507982 (READ-ONLY COPY).

The authoritative reference and input builder live on the scoring server;
editing this copy changes nothing except your own understanding.
"""

import jax, jax.numpy as jnp
import numpy as np

Q = 512
K = 100000
D = 256
KNN = 16
H = 4
CTX = 256


def setup_inputs(seed: int = 0) -> dict:
    key = jax.random.key(seed)
    ks = jax.random.split(key, 16)
    s = 0.05
    inp = {
        'p_t': jax.random.normal(ks[0], (Q, D), dtype=jnp.float32),
        'memory': jax.random.normal(ks[1], (K, D), dtype=jnp.float32),
        'Wq': jax.random.normal(ks[2], (D, D), dtype=jnp.float32) * s,
        'bq': jnp.zeros((D,), dtype=jnp.float32),
        'Wk': jax.random.normal(ks[3], (D, D), dtype=jnp.float32) * s,
        'bk': jnp.zeros((D,), dtype=jnp.float32),
        'Wv': jax.random.normal(ks[4], (D, D), dtype=jnp.float32) * s,
        'bv': jnp.zeros((D,), dtype=jnp.float32),
        'Wo': jax.random.normal(ks[5], (D, D), dtype=jnp.float32) * s,
        'bo': jnp.zeros((D,), dtype=jnp.float32),
        'W1': jax.random.normal(ks[6], (CTX, D), dtype=jnp.float32) * s,
        'b1': jnp.zeros((CTX,), dtype=jnp.float32),
        'W2': jax.random.normal(ks[7], (CTX, CTX), dtype=jnp.float32) * s,
        'b2': jnp.zeros((CTX,), dtype=jnp.float32),
    }
    return inp


def reference(p_t, memory, Wq, bq, Wk, bk, Wv, bv, Wo, bo, W1, b1, W2, b2):
    # torch.cdist (Euclidean) via expansion
    p2 = jnp.sum(p_t * p_t, axis=-1, keepdims=True)            # (Q, 1)
    m2 = jnp.sum(memory * memory, axis=-1)[None, :]            # (1, K)
    sq = p2 + m2 - 2.0 * (p_t @ memory.T)                      # (Q, K)
    dists = jnp.sqrt(jnp.maximum(sq, 1e-12))
    # top-k smallest distances
    neg_vals, topk_idx = jax.lax.top_k(-dists, KNN)            # (Q, KNN)
    topk_vals = -neg_vals
    retrieved = jnp.take(memory, topk_idx, axis=0)             # (Q, KNN, D)
    # MultiheadAttention: query = p_t (seq len 1), key/value = retrieved
    q = p_t @ Wq.T + bq                                        # (Q, D)
    kk = jnp.einsum('qkd,ed->qke', retrieved, Wk) + bk         # (Q, KNN, D)
    vv = jnp.einsum('qkd,ed->qke', retrieved, Wv) + bv         # (Q, KNN, D)
    dh = D // H
    qh = q.reshape(Q, H, dh)
    kh = kk.reshape(Q, KNN, H, dh)
    vh = vv.reshape(Q, KNN, H, dh)
    scores = jnp.einsum('qhd,qkhd->qhk', qh, kh) / jnp.sqrt(jnp.float32(dh))
    attn = jax.nn.softmax(scores, axis=-1)
    ctx = jnp.einsum('qhk,qkhd->qhd', attn, vh).reshape(Q, D)
    attended = ctx @ Wo.T + bo                                 # (Q, D)
    # aggregator MLP: Linear -> ReLU -> Linear
    h1 = jax.nn.relu(attended @ W1.T + b1)
    r_t = h1 @ W2.T + b2                                       # (Q, CTX)
    return r_t

if __name__ == "__main__":
    import jax
    _d = setup_inputs()
    print(jax.jit(kernel)(*tuple(_d.values())))

</pallas_src>

<mosaic_0001>
#map = affine_map<(d0, d1) -> (0, 0)>
module attributes {stable_mosaic.version = 14 : i64} {
  func.func @sc_kernel(%arg0: i32, %arg1: i32, %arg2: memref<512x208xf32, #tpu.memory_space<hbm>>, %arg3: memref<100352x512xf32, #tpu.memory_space<hbm>>, %arg4: memref<100000x256xf32, #tpu.memory_space<hbm>>, %arg5: memref<8192x256xf32, #tpu.memory_space<hbm>>, %arg6: memref<208xf32, #tpu.memory_space<vmem>>, %arg7: memref<16xi32, #tpu.memory_space<vmem>>, %arg8: memref<16x512xf32, #tpu.memory_space<vmem>>, %arg9: memref<16xi32, #tpu.memory_space<vmem>>, %arg10: memref<16xi32, #tpu.memory_space<vmem>>, %arg11: memref<16x256xf32, #tpu.memory_space<vmem>>, %arg12: memref<!tpu.dma_semaphore, #tpu.memory_space<semaphore_mem>>) attributes {dimension_semantics = [#tpu.dimension_semantics<core_parallel>, #tpu.dimension_semantics<subcore_parallel>], iteration_bounds = array<i64: 2, 16>, scalar_prefetch = 0 : i64, scratch_operands = 7 : i64, tpu.core_type = #tpu.core_type<sc_vector_subcore>, window_params = [{transform_indices = #map}, {transform_indices = #map}, {transform_indices = #map}, {transform_indices = #map}]} {
    %mul3A = arith.constant 2 : i32
    %mul3A_0 = arith.muli %arg1, %mul3A : i32
    %add3A = arith.addi %mul3A_0, %arg0 : i32
    %iota3A = tpu.iota {dimensions = array<i32: 0>} : vector<16xi32>
    %broadcast_in_dim3A = arith.constant 0x7F800000 : f32
    %broadcast_in_dim3A_1 = vector.broadcast %broadcast_in_dim3A : f32 to vector<16xf32>
    %broadcast_in_dim3A_2 = arith.constant 0 : i32
    %broadcast_in_dim3A_3 = vector.broadcast %broadcast_in_dim3A_2 : i32 to vector<16xi32>
    %scan3A = arith.constant 0 : i32
    %scan3A_4 = arith.constant 16 : i32
    %scan3A_5 = arith.addi %scan3A, %scan3A_4 : i32
    %scan3A_6 = arith.constant 1 : i32
    scf.for %scan3A_8 = %scan3A to %scan3A_5 step %scan3A_6  : i32 {
      %mul3A_9 = arith.constant 1 : i32
      %mul3A_10 = arith.muli %scan3A_8, %mul3A_9 : i32
      %add3A_11 = arith.constant 0 : i32
      %add3A_12 = arith.addi %add3A_11, %mul3A_10 : i32
      %mul3A_13 = arith.constant 16 : i32
      %mul3A_14 = arith.muli %add3A, %mul3A_13 : i32
      %add3A_15 = arith.addi %mul3A_14, %add3A_12 : i32
      "tpu.region"() ({
        %run_scoped3A = tpu.sem_alloc : memref<!tpu.dma_semaphore, #tpu.memory_space<semaphore_mem>>
        %dma_start3A_57 = arith.constant 0 : i32
        %dma_start3A_58 = tpu.memref_slice %arg2[%add3A_15, %dma_start3A_57] : memref<512x208xf32, #tpu.memory_space<hbm>> -> memref<1x208xf32, #tpu.memory_space<hbm>>
        %dma_start3A_59 = tpu.memref_squeeze %dma_start3A_58 : memref<1x208xf32, #tpu.memory_space<hbm>> -> memref<208xf32, #tpu.memory_space<hbm>>
        %dma_start3A_60 = arith.constant 0 : i32
        %dma_start3A_61 = tpu.memref_slice %arg2[%add3A_15, %dma_start3A_60] : memref<512x208xf32, #tpu.memory_space<hbm>> -> memref<1x208xf32, #tpu.memory_space<hbm>>
        %dma_start3A_62 = tpu.memref_squeeze %dma_start3A_61 : memref<1x208xf32, #tpu.memory_space<hbm>> -> memref<208xf32, #tpu.memory_space<hbm>>
        tpu.enqueue_dma source(%dma_start3A_62 : memref<208xf32, #tpu.memory_space<hbm>>) target(%arg6 : memref<208xf32, #tpu.memory_space<vmem>>) target_semaphore(%run_scoped3A : memref<!tpu.dma_semaphore, #tpu.memory_space<semaphore_mem>>)
        %dma_wait3A_63 = arith.constant 0 : i32
        %dma_wait3A_64 = tpu.memref_slice %arg2[%add3A_15, %dma_wait3A_63] : memref<512x208xf32, #tpu.memory_space<hbm>> -> memref<1x208xf32, #tpu.memory_space<hbm>>
        %dma_wait3A_65 = tpu.memref_squeeze %dma_wait3A_64 : memref<1x208xf32, #tpu.memory_space<hbm>> -> memref<208xf32, #tpu.memory_space<hbm>>
        %dma_wait3A_66 = arith.constant 0 : i32
        %dma_wait3A_67 = tpu.memref_slice %arg2[%add3A_15, %dma_wait3A_66] : memref<512x208xf32, #tpu.memory_space<hbm>> -> memref<1x208xf32, #tpu.memory_space<hbm>>
        %dma_wait3A_68 = tpu.memref_squeeze %dma_wait3A_67 : memref<1x208xf32, #tpu.memory_space<hbm>> -> memref<208xf32, #tpu.memory_space<hbm>>
        tpu.wait_dma2 semaphore(%run_scoped3A : memref<!tpu.dma_semaphore, #tpu.memory_space<semaphore_mem>>) src(%dma_wait3A_68 : memref<208xf32, #tpu.memory_space<hbm>>) dst(%arg6 : memref<208xf32, #tpu.memory_space<vmem>>)
        tpu.yield
      }) : () -> ()
      %scan3A_16 = arith.constant 0 : i32
      %scan3A_17 = arith.constant 13 : i32
      %scan3A_18 = arith.addi %scan3A_16, %scan3A_17 : i32
      %scan3A_19 = arith.constant 1 : i32
      %scan3A_20:2 = scf.for %scan3A_57 = %scan3A_16 to %scan3A_18 step %scan3A_19 iter_args(%scan3A_58 = %broadcast_in_dim3A_1, %scan3A_59 = %broadcast_in_dim3A_3) -> (vector<16xf32>, vector<16xi32>)  : i32 {
        %mul3A_60 = arith.constant 16 : i32
        %mul3A_61 = arith.muli %scan3A_57, %mul3A_60 : i32
        %get3A = arith.index_cast %mul3A_61 : i32 to index
        %get3A_62 = tpu.vector_load %arg6[%get3A] {strides = array<i32>} : memref<208xf32, #tpu.memory_space<vmem>>, vector<16xf32>,
        %mul3A_63 = arith.constant 16 : i32
        %mul3A_64 = arith.muli %scan3A_57, %mul3A_63 : i32
        %add3A_65 = vector.broadcast %mul3A_64 : i32 to vector<16xi32>
        %add3A_66 = arith.addi %add3A_65, %iota3A : vector<16xi32>
        %masked_sort3A = arith.constant dense<true> : vector<16xi1>
        %masked_sort3A_67, %masked_sort3A_68, %masked_sort3A_69 = tpu.sort %get3A_62, %add3A_66 masked %masked_sort3A : (vector<16xf32>, vector<16xi32>, vector<16xi1>) -> (vector<16xi1>, vector<16xf32>, vector<16xi32>)
        %rev3A = arith.constant 15 : i32
        %rev3A_70 = vector.broadcast %rev3A : i32 to vector<16xi32>
        %rev3A_71 = tpu.iota {dimensions = array<i32: 0>} : vector<16xi32>
        %rev3A_72 = arith.subi %rev3A_70, %rev3A_71 : vector<16xi32>
        %rev3A_73 = tpu.dynamic_gather %masked_sort3A_68[%rev3A_72] in [0] : vector<16xf32>, vector<16xi32> -> vector<16xf32>
        %rev3A_74 = arith.constant 15 : i32
        %rev3A_75 = vector.broadcast %rev3A_74 : i32 to vector<16xi32>
        %rev3A_76 = tpu.iota {dimensions = array<i32: 0>} : vector<16xi32>
        %rev3A_77 = arith.subi %rev3A_75, %rev3A_76 : vector<16xi32>
        %rev3A_78 = tpu.dynamic_gather %masked_sort3A_69[%rev3A_77] in [0] : vector<16xi32>, vector<16xi32> -> vector<16xi32>
        %le3A = arith.cmpf ole, %scan3A_58, %rev3A_73 : vector<16xf32>
        %select_n3A = arith.select %le3A, %scan3A_58, %rev3A_73 : vector<16xi1>, vector<16xf32>
        %select_n3A_79 = arith.select %le3A, %scan3A_59, %rev3A_78 : vector<16xi1>, vector<16xi32>
        %masked_sort3A_80 = arith.constant dense<true> : vector<16xi1>
        %masked_sort3A_81, %masked_sort3A_82, %masked_sort3A_83 = tpu.sort %select_n3A, %select_n3A_79 masked %masked_sort3A_80 : (vector<16xf32>, vector<16xi32>, vector<16xi1>) -> (vector<16xi1>, vector<16xf32>, vector<16xi32>)
        scf.yield %masked_sort3A_82, %masked_sort3A_83 : vector<16xf32>, vector<16xi32>
      }
      %scan3A_21 = arith.constant 13 : i32
      %swap3A = arith.constant 0 : index
      %swap3A_22 = tpu.vector_load %arg9[%swap3A] {strides = array<i32>} : memref<16xi32, #tpu.memory_space<vmem>>, vector<16xi32>,
      tpu.vector_store %arg9[%swap3A], %scan3A_20#1 {strides = array<i32>} : memref<16xi32, #tpu.memory_space<vmem>>, vector<16xi32>,
      %mul3A_23 = arith.constant 196 : i32
      %mul3A_24 = arith.muli %add3A_15, %mul3A_23 : i32
      %add3A_25 = vector.broadcast %mul3A_24 : i32 to vector<16xi32>
      %add3A_26 = arith.addi %add3A_25, %scan3A_20#1 : vector<16xi32>
      %swap3A_27 = arith.constant 0 : index
      %swap3A_28 = tpu.vector_load %arg7[%swap3A_27] {strides = array<i32>} : memref<16xi32, #tpu.memory_space<vmem>>, vector<16xi32>,
      tpu.vector_store %arg7[%swap3A_27], %add3A_26 {strides = array<i32>} : memref<16xi32, #tpu.memory_space<vmem>>, vector<16xi32>,
      %dma_start3A = arith.constant 0 : i32
      %dma_start3A_29 = arith.constant 0 : i32
      %dma_start3A_30 = tpu.memref_slice %arg3[%dma_start3A, %dma_start3A_29] : memref<100352x512xf32, #tpu.memory_space<hbm>> -> memref<100352x512xf32, #tpu.memory_space<hbm>>
      tpu.enqueue_indirect_dma source(%dma_start3A_30 : memref<100352x512xf32, #tpu.memory_space<hbm>>) target(%arg8 : memref<16x512xf32, #tpu.memory_space<vmem>>) offsets(%arg7 : memref<16xi32, #tpu.memory_space<vmem>>) semaphore(%arg12 : memref<!tpu.dma_semaphore, #tpu.memory_space<semaphore_mem>>)
      %dma_wait3A = arith.constant 0 : i32
      %dma_wait3A_31 = arith.constant 0 : i32
      %dma_wait3A_32 = tpu.memref_slice %arg3[%dma_wait3A, %dma_wait3A_31] : memref<100352x512xf32, #tpu.memory_space<hbm>> -> memref<100352x512xf32, #tpu.memory_space<hbm>>
      tpu.wait_indirect_dma semaphore(%arg12 : memref<!tpu.dma_semaphore, #tpu.memory_space<semaphore_mem>>) src(%dma_wait3A_32 : memref<100352x512xf32, #tpu.memory_space<hbm>>) dst(%arg8 : memref<16x512xf32, #tpu.memory_space<vmem>>)
      %scan3A_33 = arith.constant 0 : i32
      %scan3A_34 = arith.constant 16 : i32
      %scan3A_35 = arith.addi %scan3A_33, %scan3A_34 : i32
      %scan3A_36 = arith.constant 1 : i32
      %scan3A_37:2 = scf.for %scan3A_57 = %scan3A_33 to %scan3A_35 step %scan3A_36 iter_args(%scan3A_58 = %broadcast_in_dim3A_1, %scan3A_59 = %broadcast_in_dim3A_3) -> (vector<16xf32>, vector<16xi32>)  : i32 {
        %scan3A_60 = arith.constant 0 : i32
        %scan3A_61 = arith.constant 32 : i32
        %scan3A_62 = arith.addi %scan3A_60, %scan3A_61 : i32
        %scan3A_63 = arith.constant 1 : i32
        %scan3A_64:2 = scf.for %scan3A_66 = %scan3A_60 to %scan3A_62 step %scan3A_63 iter_args(%scan3A_67 = %scan3A_58, %scan3A_68 = %scan3A_59) -> (vector<16xf32>, vector<16xi32>)  : i32 {
          %mul3A_69 = arith.constant 16 : i32
          %mul3A_70 = arith.muli %scan3A_66, %mul3A_69 : i32
          %get3A = arith.index_cast %scan3A_57 : i32 to index
          %get3A_71 = arith.index_cast %mul3A_70 : i32 to index
          %get3A_72 = tpu.vector_load %arg8[%get3A, %get3A_71] {strides = array<i32>} : memref<16x512xf32, #tpu.memory_space<vmem>>, vector<16xf32>,
          %reduce_max3A = arith.constant true
          %reduce_max3A_73 = vector.broadcast %reduce_max3A : i1 to vector<16xi1>
          %reduce_max3A_74 = tpu.scan <max>, %scan3A_67 masked %reduce_max3A_73 : vector<16xf32>, vector<16xi1> -> vector<16xf32>
          %reduce_max3A_75 = vector.extract %reduce_max3A_74[15] : f32 from vector<16xf32>
          %lt3A = vector.broadcast %reduce_max3A_75 : f32 to vector<16xf32>
          %lt3A_76 = arith.cmpf olt, %get3A_72, %lt3A : vector<16xf32>
          %reduce_or3A = arith.constant 1.000000e+00 : f32
          %reduce_or3A_77 = arith.constant 0.000000e+00 : f32
          %reduce_or3A_78 = vector.broadcast %reduce_or3A : f32 to vector<16xf32>
          %reduce_or3A_79 = vector.broadcast %reduce_or3A_77 : f32 to vector<16xf32>
          %reduce_or3A_80 = arith.select %lt3A_76, %reduce_or3A_78, %reduce_or3A_79 : vector<16xi1>, vector<16xf32>
          %reduce_or3A_81 = arith.constant true
          %reduce_or3A_82 = vector.broadcast %reduce_or3A_81 : i1 to vector<16xi1>
          %reduce_or3A_83 = tpu.scan <max>, %reduce_or3A_80 masked %reduce_or3A_82 : vector<16xf32>, vector<16xi1> -> vector<16xf32>
          %reduce_or3A_84 = vector.extract %reduce_or3A_83[15] : f32 from vector<16xf32>
          %reduce_or3A_85 = arith.constant 0.000000e+00 : f32
          %reduce_or3A_86 = arith.cmpf ogt, %reduce_or3A_84, %reduce_or3A_85 : f32
          %mul3A_87 = arith.constant 512 : i32
          %mul3A_88 = arith.muli %scan3A_57, %mul3A_87 : i32
          %mul3A_89 = arith.constant 16 : i32
          %mul3A_90 = arith.muli %scan3A_66, %mul3A_89 : i32
          %add3A_91 = arith.addi %mul3A_88, %mul3A_90 : i32
          %add3A_92 = vector.broadcast %add3A_91 : i32 to vector<16xi32>
          %add3A_93 = arith.addi %add3A_92, %iota3A : vector<16xi32>
          %convert_element_type3A = arith.extui %reduce_or3A_86 : i1 to i32
          %cond3A = arith.constant 0 : i32
          %cond3A_94 = arith.cmpi ne, %convert_element_type3A, %cond3A : i32
          %cond3A_95:2 = scf.if %cond3A_94 -> (vector<16xf32>, vector<16xi32>) {
            %masked_sort3A = arith.constant dense<true> : vector<16xi1>
            %masked_sort3A_96, %masked_sort3A_97, %masked_sort3A_98 = tpu.sort %get3A_72, %add3A_93 masked %masked_sort3A : (vector<16xf32>, vector<16xi32>, vector<16xi1>) -> (vector<16xi1>, vector<16xf32>, vector<16xi32>)
            %rev3A = arith.constant 15 : i32
            %rev3A_99 = vector.broadcast %rev3A : i32 to vector<16xi32>
            %rev3A_100 = tpu.iota {dimensions = array<i32: 0>} : vector<16xi32>
            %rev3A_101 = arith.subi %rev3A_99, %rev3A_100 : vector<16xi32>
            %rev3A_102 = tpu.dynamic_gather %masked_sort3A_97[%rev3A_101] in [0] : vector<16xf32>, vector<16xi32> -> vector<16xf32>
            %rev3A_103 = arith.constant 15 : i32
            %rev3A_104 = vector.broadcast %rev3A_103 : i32 to vector<16xi32>
            %rev3A_105 = tpu.iota {dimensions = array<i32: 0>} : vector<16xi32>
            %rev3A_106 = arith.subi %rev3A_104, %rev3A_105 : vector<16xi32>
            %rev3A_107 = tpu.dynamic_gather %masked_sort3A_98[%rev3A_106] in [0] : vector<16xi32>, vector<16xi32> -> vector<16xi32>
            %le3A = arith.cmpf ole, %scan3A_67, %rev3A_102 : vector<16xf32>
            %select_n3A = arith.select %le3A, %scan3A_67, %rev3A_102 : vector<16xi1>, vector<16xf32>
            %select_n3A_108 = arith.select %le3A, %scan3A_68, %rev3A_107 : vector<16xi1>, vector<16xi32>
            %masked_sort3A_109 = arith.constant dense<true> : vector<16xi1>
            %masked_sort3A_110, %masked_sort3A_111, %masked_sort3A_112 = tpu.sort %select_n3A, %select_n3A_108 masked %masked_sort3A_109 : (vector<16xf32>, vector<16xi32>, vector<16xi1>) -> (vector<16xi1>, vector<16xf32>, vector<16xi32>)
            scf.yield %masked_sort3A_111, %masked_sort3A_112 : vector<16xf32>, vector<16xi32>
          } else {
            scf.yield %scan3A_67, %scan3A_68 : vector<16xf32>, vector<16xi32>
          }
          scf.yield %cond3A_95#0, %cond3A_95#1 : vector<16xf32>, vector<16xi32>
        }
        %scan3A_65 = arith.constant 32 : i32
        scf.yield %scan3A_64#0, %scan3A_64#1 : vector<16xf32>, vector<16xi32>
      }
      %scan3A_38 = arith.constant 16 : i32
      %shift_right_logical3A = arith.constant 9 : i32
      %shift_right_logical3A_39 = vector.broadcast %shift_right_logical3A : i32 to vector<16xi32>
      %shift_right_logical3A_40 = arith.shrui %scan3A_37#1, %shift_right_logical3A_39 : vector<16xi32>
      %and3A = arith.constant 511 : i32
      %and3A_41 = vector.broadcast %and3A : i32 to vector<16xi32>
      %and3A_42 = arith.andi %scan3A_37#1, %and3A_41 : vector<16xi32>
      %gather3A = tpu.vector_load_idx %arg9[%shift_right_logical3A_40] : memref<16xi32, #tpu.memory_space<vmem>>[vector<16xi32>], vector<16xi32>,
      %mul3A_43 = arith.constant 512 : i32
      %mul3A_44 = vector.broadcast %mul3A_43 : i32 to vector<16xi32>
      %mul3A_45 = arith.muli %gather3A, %mul3A_44 : vector<16xi32>
      %add3A_46 = arith.addi %mul3A_45, %and3A_42 : vector<16xi32>
      %swap3A_47 = arith.constant 0 : index
      %swap3A_48 = tpu.vector_load %arg10[%swap3A_47] {strides = array<i32>} : memref<16xi32, #tpu.memory_space<vmem>>, vector<16xi32>,
      tpu.vector_store %arg10[%swap3A_47], %add3A_46 {strides = array<i32>} : memref<16xi32, #tpu.memory_space<vmem>>, vector<16xi32>,
      %dma_start3A_49 = arith.constant 0 : i32
      %dma_start3A_50 = arith.constant 0 : i32
      %dma_start3A_51 = tpu.memref_slice %arg4[%dma_start3A_49, %dma_start3A_50] : memref<100000x256xf32, #tpu.memory_space<hbm>> -> memref<100000x256xf32, #tpu.memory_space<hbm>>
      tpu.enqueue_indirect_dma source(%dma_start3A_51 : memref<100000x256xf32, #tpu.memory_space<hbm>>) target(%arg11 : memref<16x256xf32, #tpu.memory_space<vmem>>) offsets(%arg10 : memref<16xi32, #tpu.memory_space<vmem>>) semaphore(%arg12 : memref<!tpu.dma_semaphore, #tpu.memory_space<semaphore_mem>>)
      %dma_wait3A_52 = arith.constant 0 : i32
      %dma_wait3A_53 = arith.constant 0 : i32
      %dma_wait3A_54 = tpu.memref_slice %arg4[%dma_wait3A_52, %dma_wait3A_53] : memref<100000x256xf32, #tpu.memory_space<hbm>> -> memref<100000x256xf32, #tpu.memory_space<hbm>>
      tpu.wait_indirect_dma semaphore(%arg12 : memref<!tpu.dma_semaphore, #tpu.memory_space<semaphore_mem>>) src(%dma_wait3A_54 : memref<100000x256xf32, #tpu.memory_space<hbm>>) dst(%arg11 : memref<16x256xf32, #tpu.memory_space<vmem>>)
      %mul3A_55 = arith.constant 16 : i32
      %mul3A_56 = arith.muli %add3A_15, %mul3A_55 : i32
      "tpu.region"() ({
        %run_scoped3A = tpu.sem_alloc : memref<!tpu.dma_semaphore, #tpu.memory_space<semaphore_mem>>
        %dma_start3A_57 = arith.constant 0 : i32
        %dma_start3A_58 = tpu.memref_slice %arg5[%mul3A_56, %dma_start3A_57] : memref<8192x256xf32, #tpu.memory_space<hbm>> -> memref<16x256xf32, #tpu.memory_space<hbm>>
        %dma_start3A_59 = arith.constant 0 : i32
        %dma_start3A_60 = tpu.memref_slice %arg5[%mul3A_56, %dma_start3A_59] : memref<8192x256xf32, #tpu.memory_space<hbm>> -> memref<16x256xf32, #tpu.memory_space<hbm>>
        tpu.enqueue_dma source(%arg11 : memref<16x256xf32, #tpu.memory_space<vmem>>) target(%dma_start3A_60 : memref<16x256xf32, #tpu.memory_space<hbm>>) target_semaphore(%run_scoped3A : memref<!tpu.dma_semaphore, #tpu.memory_space<semaphore_mem>>)
        %dma_wait3A_61 = arith.constant 0 : i32
        %dma_wait3A_62 = tpu.memref_slice %arg5[%mul3A_56, %dma_wait3A_61] : memref<8192x256xf32, #tpu.memory_space<hbm>> -> memref<16x256xf32, #tpu.memory_space<hbm>>
        %dma_wait3A_63 = arith.constant 0 : i32
        %dma_wait3A_64 = tpu.memref_slice %arg5[%mul3A_56, %dma_wait3A_63] : memref<8192x256xf32, #tpu.memory_space<hbm>> -> memref<16x256xf32, #tpu.memory_space<hbm>>
        tpu.wait_dma2 semaphore(%run_scoped3A : memref<!tpu.dma_semaphore, #tpu.memory_space<semaphore_mem>>) src(%arg11 : memref<16x256xf32, #tpu.memory_space<vmem>>) dst(%dma_wait3A_64 : memref<16x256xf32, #tpu.memory_space<hbm>>)
        tpu.yield
      }) : () -> ()
    }
    %scan3A_7 = arith.constant 16 : i32
    return
  }
}

module attributes {stable_mosaic.version = 14 : i64} {
  func.func @_keys_body(%arg0: i32, %arg1: memref<512x256xf32, #tpu.memory_space<vmem>>, %arg2: memref<512x256xf32, #tpu.memory_space<vmem>>, %arg3: memref<1x512xf32, #tpu.memory_space<vmem>>, %arg4: memref<512x1xf32, #tpu.memory_space<vmem>>, %arg5: memref<512x512xf32, #tpu.memory_space<vmem>>, %arg6: memref<1x1x512xf32, #tpu.memory_space<vmem>>) attributes {dimension_semantics = [#tpu.dimension_semantics<arbitrary>], iteration_bounds = array<i64: 196>, scalar_prefetch = 0 : i64, scratch_operands = 0 : i64, tpu.core_type = #tpu.core_type<tc>, window_params = [{pipeline_mode = #tpu.pipeline_mode<synchronous>, transform_indices = @transform_0, window_bounds = array<i64: 512, 256>}, {transform_indices = @transform_1, window_bounds = array<i64: 512, 256>}, {transform_indices = @transform_2, window_bounds = array<i64: 1, 512>}, {pipeline_mode = #tpu.pipeline_mode<synchronous>, transform_indices = @transform_3, window_bounds = array<i64: 512, 1>}, {transform_indices = @transform_4, window_bounds = array<i64: 512, 512>}, {transform_indices = @transform_5, window_bounds = array<i64: 1, 1, 512>}]} {
    %get3A = arith.constant 0 : index
    %get3A_0 = arith.constant 0 : index
    %get3A_1 = vector.load %arg2[%get3A, %get3A_0] : memref<512x256xf32, #tpu.memory_space<vmem>>, vector<512x256xf32>
    %get3A_2 = arith.constant 0 : index
    %get3A_3 = arith.constant 0 : index
    %get3A_4 = vector.load %arg1[%get3A_2, %get3A_3] : memref<512x256xf32, #tpu.memory_space<vmem>>, vector<512x256xf32>
    %dot_general3A = arith.constant dense<0.000000e+00> : vector<512x512xf32>
    %dot_general3A_5 = tpu.matmul %get3A_4, %get3A_1, %dot_general3A {dimension_numbers = #tpu.dot_dimension_numbers<[1], [1], [0], [0], [0, 0, 1, 0], [], []>, transpose_lhs_hint = false} : vector<512x256xf32>, vector<512x256xf32>, vector<512x512xf32> -> vector<512x512xf32>
    %get3A_6 = arith.constant 0 : index
    %get3A_7 = arith.constant 0 : index
    %get3A_8 = vector.load %arg4[%get3A_6, %get3A_7] : memref<512x1xf32, #tpu.memory_space<vmem>>, vector<512x1xf32>
    %get3A_9 = arith.constant 0 : index
    %get3A_10 = arith.constant 0 : index
    %get3A_11 = vector.load %arg3[%get3A_9, %get3A_10] : memref<1x512xf32, #tpu.memory_space<vmem>>, vector<1x512xf32>
    %add3A = vector.broadcast %get3A_8 : vector<512x1xf32> to vector<512x512xf32>
    %add3A_12 = vector.broadcast %get3A_11 : vector<1x512xf32> to vector<512x512xf32>
    %add3A_13 = arith.addf %add3A, %add3A_12 : vector<512x512xf32>
    %mul3A = arith.constant 2.000000e+00 : f32
    %mul3A_14 = vector.broadcast %mul3A : f32 to vector<512x512xf32>
    %mul3A_15 = arith.mulf %mul3A_14, %dot_general3A_5 : vector<512x512xf32>
    %sub3A = arith.subf %add3A_13, %mul3A_15 : vector<512x512xf32>
    %mul3A_16 = arith.constant 512 : i32
    %mul3A_17 = arith.muli %arg0, %mul3A_16 : i32
    %iota3A = tpu.iota {dimensions = array<i32: 1>} : vector<512x512xi32>
    %add3A_18 = vector.broadcast %mul3A_17 : i32 to vector<512x512xi32>
    %add3A_19 = arith.addi %add3A_18, %iota3A : vector<512x512xi32>
    %lt3A = arith.constant 100000 : i32
    %lt3A_20 = vector.broadcast %lt3A : i32 to vector<512x512xi32>
    %lt3A_21 = arith.cmpi slt, %add3A_19, %lt3A_20 : vector<512x512xi32>
    %jit3A = arith.constant 0x7F800000 : f32
    %broadcast_in_dim3A = vector.broadcast %jit3A : f32 to vector<512x512xf32>
    %select_n3A = arith.select %lt3A_21, %sub3A, %broadcast_in_dim3A : vector<512x512xi1>, vector<512x512xf32>
    %swap3A = arith.constant 0 : index
    %swap3A_22 = arith.constant 0 : index
    %swap3A_23 = vector.load %arg5[%swap3A, %swap3A_22] : memref<512x512xf32, #tpu.memory_space<vmem>>, vector<512x512xf32>
    tpu.vector_store %arg5[%swap3A, %swap3A_22], %select_n3A {strides = array<i32>} : memref<512x512xf32, #tpu.memory_space<vmem>>, vector<512x512xf32>,
    %reduce_min3A = arith.constant dense<0x7F800000> : vector<512xf32>
    %reduce_min3A_24 = vector.multi_reduction <minimumf>, %select_n3A, %reduce_min3A [1] : vector<512x512xf32> to vector<512xf32>
    %broadcast_in_dim3A_25 = vector.shape_cast %reduce_min3A_24 : vector<512xf32> to vector<512x1xf32>
    %reshape3A = vector.shape_cast %broadcast_in_dim3A_25 : vector<512x1xf32> to vector<1x1x512xf32>
    %swap3A_26 = arith.constant 0 : index
    %swap3A_27 = arith.constant 0 : index
    %swap3A_28 = arith.constant 0 : index
    %swap3A_29 = vector.load %arg6[%swap3A_26, %swap3A_27, %swap3A_28] : memref<1x1x512xf32, #tpu.memory_space<vmem>>, vector<1x1x512xf32>
    tpu.vector_store %arg6[%swap3A_26, %swap3A_27, %swap3A_28], %reshape3A {strides = array<i32>} : memref<1x1x512xf32, #tpu.memory_space<vmem>>, vector<1x1x512xf32>,
    return
  }
  func.func @transform_0(%arg0: i32) -> (i32, i32) {
    %c0_i32 = arith.constant 0 : i32
    %c0_i32_0 = arith.constant 0 : i32
    %c0_i32_1 = arith.constant 0 : i32
    return %c0_i32, %c0_i32_0 : i32, i32
  }
  func.func @transform_1(%arg0: i32) -> (i32, i32) {
    %c0_i32 = arith.constant 0 : i32
    %c0_i32_0 = arith.constant 0 : i32
    return %arg0, %c0_i32 : i32, i32
  }
  func.func @transform_2(%arg0: i32) -> (i32, i32) {
    %c0_i32 = arith.constant 0 : i32
    %c0_i32_0 = arith.constant 0 : i32
    return %c0_i32, %arg0 : i32, i32
  }
  func.func @transform_3(%arg0: i32) -> (i32, i32) {
    %c0_i32 = arith.constant 0 : i32
    %c0_i32_0 = arith.constant 0 : i32
    %c0_i32_1 = arith.constant 0 : i32
    return %c0_i32, %c0_i32_0 : i32, i32
  }
  func.func @transform_4(%arg0: i32) -> (i32, i32) {
    %c0_i32 = arith.constant 0 : i32
    %c0_i32_0 = arith.constant 0 : i32
    return %c0_i32, %arg0 : i32, i32
  }
  func.func @transform_5(%arg0: i32) -> (i32, i32, i32) {
    %c0_i32 = arith.constant 0 : i32
    %c0_i32_0 = arith.constant 0 : i32
    %c0_i32_1 = arith.constant 0 : i32
    return %arg0, %c0_i32, %c0_i32_0 : i32, i32, i32
  }
}

module attributes {stable_mosaic.version = 14 : i64} {
  func.func @_attn_body(%arg0: memref<512x256xf32, #tpu.memory_space<vmem>>, %arg1: memref<8192x256xf32, #tpu.memory_space<vmem>>, %arg2: memref<256x256xf32, #tpu.memory_space<vmem>>, %arg3: memref<1x256xf32, #tpu.memory_space<vmem>>, %arg4: memref<256x256xf32, #tpu.memory_space<vmem>>, %arg5: memref<1x256xf32, #tpu.memory_space<vmem>>, %arg6: memref<256x256xf32, #tpu.memory_space<vmem>>, %arg7: memref<1x256xf32, #tpu.memory_space<vmem>>, %arg8: memref<256x256xf32, #tpu.memory_space<vmem>>, %arg9: memref<1x256xf32, #tpu.memory_space<vmem>>, %arg10: memref<256x256xf32, #tpu.memory_space<vmem>>, %arg11: memref<1x256xf32, #tpu.memory_space<vmem>>, %arg12: memref<256x256xf32, #tpu.memory_space<vmem>>, %arg13: memref<1x256xf32, #tpu.memory_space<vmem>>, %arg14: memref<512x256xf32, #tpu.memory_space<vmem>>) attributes {dimension_semantics = [], scalar_prefetch = 0 : i64, scratch_operands = 0 : i64, tpu.core_type = #tpu.core_type<tc>} {
    %get3A = arith.constant 0 : index
    %get3A_0 = arith.constant 0 : index
    %get3A_1 = vector.load %arg0[%get3A, %get3A_0] : memref<512x256xf32, #tpu.memory_space<vmem>>, vector<512x256xf32>
    %get3A_2 = arith.constant 0 : index
    %get3A_3 = arith.constant 0 : index
    %get3A_4 = vector.load %arg1[%get3A_2, %get3A_3] : memref<8192x256xf32, #tpu.memory_space<vmem>>, vector<8192x256xf32>
    %get3A_5 = arith.constant 0 : index
    %get3A_6 = arith.constant 0 : index
    %get3A_7 = vector.load %arg2[%get3A_5, %get3A_6] : memref<256x256xf32, #tpu.memory_space<vmem>>, vector<256x256xf32>
    %dot_general3A = arith.constant dense<0.000000e+00> : vector<512x256xf32>
    %dot_general3A_8 = tpu.matmul %get3A_1, %get3A_7, %dot_general3A {dimension_numbers = #tpu.dot_dimension_numbers<[1], [1], [0], [0], [0, 0, 1, 0], [], []>, transpose_lhs_hint = false} : vector<512x256xf32>, vector<256x256xf32>, vector<512x256xf32> -> vector<512x256xf32>
    %get3A_9 = arith.constant 0 : index
    %get3A_10 = arith.constant 0 : index
    %get3A_11 = vector.load %arg3[%get3A_9, %get3A_10] : memref<1x256xf32, #tpu.memory_space<vmem>>, vector<1x256xf32>
    %add3A = vector.broadcast %get3A_11 : vector<1x256xf32> to vector<512x256xf32>
    %add3A_12 = arith.addf %dot_general3A_8, %add3A : vector<512x256xf32>
    %get3A_13 = arith.constant 0 : index
    %get3A_14 = arith.constant 0 : index
    %get3A_15 = vector.load %arg4[%get3A_13, %get3A_14] : memref<256x256xf32, #tpu.memory_space<vmem>>, vector<256x256xf32>
    %dot_general3A_16 = arith.constant dense<0.000000e+00> : vector<8192x256xf32>
    %dot_general3A_17 = tpu.matmul %get3A_4, %get3A_15, %dot_general3A_16 {dimension_numbers = #tpu.dot_dimension_numbers<[1], [1], [0], [0], [0, 0, 1, 0], [], []>, transpose_lhs_hint = false} : vector<8192x256xf32>, vector<256x256xf32>, vector<8192x256xf32> -> vector<8192x256xf32>
    %get3A_18 = arith.constant 0 : index
    %get3A_19 = arith.constant 0 : index
    %get3A_20 = vector.load %arg5[%get3A_18, %get3A_19] : memref<1x256xf32, #tpu.memory_space<vmem>>, vector<1x256xf32>
    %add3A_21 = vector.broadcast %get3A_20 : vector<1x256xf32> to vector<8192x256xf32>
    %add3A_22 = arith.addf %dot_general3A_17, %add3A_21 : vector<8192x256xf32>
    %get3A_23 = arith.constant 0 : index
    %get3A_24 = arith.constant 0 : index
    %get3A_25 = vector.load %arg6[%get3A_23, %get3A_24] : memref<256x256xf32, #tpu.memory_space<vmem>>, vector<256x256xf32>
    %dot_general3A_26 = arith.constant dense<0.000000e+00> : vector<8192x256xf32>
    %dot_general3A_27 = tpu.matmul %get3A_4, %get3A_25, %dot_general3A_26 {dimension_numbers = #tpu.dot_dimension_numbers<[1], [1], [0], [0], [0, 0, 1, 0], [], []>, transpose_lhs_hint = false} : vector<8192x256xf32>, vector<256x256xf32>, vector<8192x256xf32> -> vector<8192x256xf32>
    %get3A_28 = arith.constant 0 : index
    %get3A_29 = arith.constant 0 : index
    %get3A_30 = vector.load %arg7[%get3A_28, %get3A_29] : memref<1x256xf32, #tpu.memory_space<vmem>>, vector<1x256xf32>
    %add3A_31 = vector.broadcast %get3A_30 : vector<1x256xf32> to vector<8192x256xf32>
    %add3A_32 = arith.addf %dot_general3A_27, %add3A_31 : vector<8192x256xf32>
    %slice3A = vector.extract_strided_slice %add3A_12 {offsets = [0, 0], sizes = [512, 64], strides = [1, 1]} : vector<512x256xf32> to vector<512x64xf32>
    %slice3A_33 = vector.extract_strided_slice %add3A_22 {offsets = [0, 0], sizes = [8192, 64], strides = [1, 1]} : vector<8192x256xf32> to vector<8192x64xf32>
    %reshape3A = vector.shape_cast %slice3A_33 : vector<8192x64xf32> to vector<512x16x64xf32>
    %slice3A_34 = vector.extract_strided_slice %add3A_32 {offsets = [0, 0], sizes = [8192, 64], strides = [1, 1]} : vector<8192x256xf32> to vector<8192x64xf32>
    %reshape3A_35 = vector.shape_cast %slice3A_34 : vector<8192x64xf32> to vector<512x16x64xf32>
    %broadcast_in_dim3A = vector.shape_cast %slice3A : vector<512x64xf32> to vector<512x1x64xf32>
    %mul3A = vector.broadcast %broadcast_in_dim3A : vector<512x1x64xf32> to vector<512x16x64xf32>
    %mul3A_36 = arith.mulf %mul3A, %reshape3A : vector<512x16x64xf32>
    %reduce_sum3A = arith.constant dense<0.000000e+00> : vector<512x16xf32>
    %reduce_sum3A_37 = vector.multi_reduction <add>, %mul3A_36, %reduce_sum3A [2] : vector<512x16x64xf32> to vector<512x16xf32>
    %mul3A_38 = arith.constant 1.250000e-01 : f32
    %mul3A_39 = vector.broadcast %mul3A_38 : f32 to vector<512x16xf32>
    %mul3A_40 = arith.mulf %reduce_sum3A_37, %mul3A_39 : vector<512x16xf32>
    %reduce_max3A = arith.constant dense<0xFF800000> : vector<512xf32>
    %reduce_max3A_41 = vector.multi_reduction <maximumf>, %mul3A_40, %reduce_max3A [1] : vector<512x16xf32> to vector<512xf32>
    %broadcast_in_dim3A_42 = vector.shape_cast %reduce_max3A_41 : vector<512xf32> to vector<512x1xf32>
    %sub3A = vector.broadcast %broadcast_in_dim3A_42 : vector<512x1xf32> to vector<512x16xf32>
    %sub3A_43 = arith.subf %mul3A_40, %sub3A : vector<512x16xf32>
    %exp3A = math.exp %sub3A_43 : vector<512x16xf32>
    %reduce_sum3A_44 = arith.constant dense<0.000000e+00> : vector<512xf32>
    %reduce_sum3A_45 = vector.multi_reduction <add>, %exp3A, %reduce_sum3A_44 [1] : vector<512x16xf32> to vector<512xf32>
    %broadcast_in_dim3A_46 = vector.shape_cast %reduce_sum3A_45 : vector<512xf32> to vector<512x1xf32>
    %div3A = vector.broadcast %broadcast_in_dim3A_46 : vector<512x1xf32> to vector<512x16xf32>
    %div3A_47 = arith.divf %exp3A, %div3A : vector<512x16xf32>
    %broadcast_in_dim3A_48 = vector.shape_cast %div3A_47 : vector<512x16xf32> to vector<512x16x1xf32>
    %mul3A_49 = vector.broadcast %broadcast_in_dim3A_48 : vector<512x16x1xf32> to vector<512x16x64xf32>
    %mul3A_50 = arith.mulf %mul3A_49, %reshape3A_35 : vector<512x16x64xf32>
    %reduce_sum3A_51 = arith.constant dense<0.000000e+00> : vector<512x64xf32>
    %reduce_sum3A_52 = vector.multi_reduction <add>, %mul3A_50, %reduce_sum3A_51 [1] : vector<512x16x64xf32> to vector<512x64xf32>
    %slice3A_53 = vector.extract_strided_slice %add3A_12 {offsets = [0, 64], sizes = [512, 64], strides = [1, 1]} : vector<512x256xf32> to vector<512x64xf32>
    %slice3A_54 = vector.extract_strided_slice %add3A_22 {offsets = [0, 64], sizes = [8192, 64], strides = [1, 1]} : vector<8192x256xf32> to vector<8192x64xf32>
    %reshape3A_55 = vector.shape_cast %slice3A_54 : vector<8192x64xf32> to vector<512x16x64xf32>
    %slice3A_56 = vector.extract_strided_slice %add3A_32 {offsets = [0, 64], sizes = [8192, 64], strides = [1, 1]} : vector<8192x256xf32> to vector<8192x64xf32>
    %reshape3A_57 = vector.shape_cast %slice3A_56 : vector<8192x64xf32> to vector<512x16x64xf32>
    %broadcast_in_dim3A_58 = vector.shape_cast %slice3A_53 : vector<512x64xf32> to vector<512x1x64xf32>
    %mul3A_59 = vector.broadcast %broadcast_in_dim3A_58 : vector<512x1x64xf32> to vector<512x16x64xf32>
    %mul3A_60 = arith.mulf %mul3A_59, %reshape3A_55 : vector<512x16x64xf32>
    %reduce_sum3A_61 = arith.constant dense<0.000000e+00> : vector<512x16xf32>
    %reduce_sum3A_62 = vector.multi_reduction <add>, %mul3A_60, %reduce_sum3A_61 [2] : vector<512x16x64xf32> to vector<512x16xf32>
    %mul3A_63 = arith.constant 1.250000e-01 : f32
    %mul3A_64 = vector.broadcast %mul3A_63 : f32 to vector<512x16xf32>
    %mul3A_65 = arith.mulf %reduce_sum3A_62, %mul3A_64 : vector<512x16xf32>
    %reduce_max3A_66 = arith.constant dense<0xFF800000> : vector<512xf32>
    %reduce_max3A_67 = vector.multi_reduction <maximumf>, %mul3A_65, %reduce_max3A_66 [1] : vector<512x16xf32> to vector<512xf32>
    %broadcast_in_dim3A_68 = vector.shape_cast %reduce_max3A_67 : vector<512xf32> to vector<512x1xf32>
    %sub3A_69 = vector.broadcast %broadcast_in_dim3A_68 : vector<512x1xf32> to vector<512x16xf32>
    %sub3A_70 = arith.subf %mul3A_65, %sub3A_69 : vector<512x16xf32>
    %exp3A_71 = math.exp %sub3A_70 : vector<512x16xf32>
    %reduce_sum3A_72 = arith.constant dense<0.000000e+00> : vector<512xf32>
    %reduce_sum3A_73 = vector.multi_reduction <add>, %exp3A_71, %reduce_sum3A_72 [1] : vector<512x16xf32> to vector<512xf32>
    %broadcast_in_dim3A_74 = vector.shape_cast %reduce_sum3A_73 : vector<512xf32> to vector<512x1xf32>
    %div3A_75 = vector.broadcast %broadcast_in_dim3A_74 : vector<512x1xf32> to vector<512x16xf32>
    %div3A_76 = arith.divf %exp3A_71, %div3A_75 : vector<512x16xf32>
    %broadcast_in_dim3A_77 = vector.shape_cast %div3A_76 : vector<512x16xf32> to vector<512x16x1xf32>
    %mul3A_78 = vector.broadcast %broadcast_in_dim3A_77 : vector<512x16x1xf32> to vector<512x16x64xf32>
    %mul3A_79 = arith.mulf %mul3A_78, %reshape3A_57 : vector<512x16x64xf32>
    %reduce_sum3A_80 = arith.constant dense<0.000000e+00> : vector<512x64xf32>
    %reduce_sum3A_81 = vector.multi_reduction <add>, %mul3A_79, %reduce_sum3A_80 [1] : vector<512x16x64xf32> to vector<512x64xf32>
    %slice3A_82 = vector.extract_strided_slice %add3A_12 {offsets = [0, 128], sizes = [512, 64], strides = [1, 1]} : vector<512x256xf32> to vector<512x64xf32>
    %slice3A_83 = vector.extract_strided_slice %add3A_22 {offsets = [0, 128], sizes = [8192, 64], strides = [1, 1]} : vector<8192x256xf32> to vector<8192x64xf32>
    %reshape3A_84 = vector.shape_cast %slice3A_83 : vector<8192x64xf32> to vector<512x16x64xf32>
    %slice3A_85 = vector.extract_strided_slice %add3A_32 {offsets = [0, 128], sizes = [8192, 64], strides = [1, 1]} : vector<8192x256xf32> to vector<8192x64xf32>
    %reshape3A_86 = vector.shape_cast %slice3A_85 : vector<8192x64xf32> to vector<512x16x64xf32>
    %broadcast_in_dim3A_87 = vector.shape_cast %slice3A_82 : vector<512x64xf32> to vector<512x1x64xf32>
    %mul3A_88 = vector.broadcast %broadcast_in_dim3A_87 : vector<512x1x64xf32> to vector<512x16x64xf32>
    %mul3A_89 = arith.mulf %mul3A_88, %reshape3A_84 : vector<512x16x64xf32>
    %reduce_sum3A_90 = arith.constant dense<0.000000e+00> : vector<512x16xf32>
    %reduce_sum3A_91 = vector.multi_reduction <add>, %mul3A_89, %reduce_sum3A_90 [2] : vector<512x16x64xf32> to vector<512x16xf32>
    %mul3A_92 = arith.constant 1.250000e-01 : f32
    %mul3A_93 = vector.broadcast %mul3A_92 : f32 to vector<512x16xf32>
    %mul3A_94 = arith.mulf %reduce_sum3A_91, %mul3A_93 : vector<512x16xf32>
    %reduce_max3A_95 = arith.constant dense<0xFF800000> : vector<512xf32>
    %reduce_max3A_96 = vector.multi_reduction <maximumf>, %mul3A_94, %reduce_max3A_95 [1] : vector<512x16xf32> to vector<512xf32>
    %broadcast_in_dim3A_97 = vector.shape_cast %reduce_max3A_96 : vector<512xf32> to vector<512x1xf32>
    %sub3A_98 = vector.broadcast %broadcast_in_dim3A_97 : vector<512x1xf32> to vector<512x16xf32>
    %sub3A_99 = arith.subf %mul3A_94, %sub3A_98 : vector<512x16xf32>
    %exp3A_100 = math.exp %sub3A_99 : vector<512x16xf32>
    %reduce_sum3A_101 = arith.constant dense<0.000000e+00> : vector<512xf32>
    %reduce_sum3A_102 = vector.multi_reduction <add>, %exp3A_100, %reduce_sum3A_101 [1] : vector<512x16xf32> to vector<512xf32>
    %broadcast_in_dim3A_103 = vector.shape_cast %reduce_sum3A_102 : vector<512xf32> to vector<512x1xf32>
    %div3A_104 = vector.broadcast %broadcast_in_dim3A_103 : vector<512x1xf32> to vector<512x16xf32>
    %div3A_105 = arith.divf %exp3A_100, %div3A_104 : vector<512x16xf32>
    %broadcast_in_dim3A_106 = vector.shape_cast %div3A_105 : vector<512x16xf32> to vector<512x16x1xf32>
    %mul3A_107 = vector.broadcast %broadcast_in_dim3A_106 : vector<512x16x1xf32> to vector<512x16x64xf32>
    %mul3A_108 = arith.mulf %mul3A_107, %reshape3A_86 : vector<512x16x64xf32>
    %reduce_sum3A_109 = arith.constant dense<0.000000e+00> : vector<512x64xf32>
    %reduce_sum3A_110 = vector.multi_reduction <add>, %mul3A_108, %reduce_sum3A_109 [1] : vector<512x16x64xf32> to vector<512x64xf32>
    %slice3A_111 = vector.extract_strided_slice %add3A_12 {offsets = [0, 192], sizes = [512, 64], strides = [1, 1]} : vector<512x256xf32> to vector<512x64xf32>
    %slice3A_112 = vector.extract_strided_slice %add3A_22 {offsets = [0, 192], sizes = [8192, 64], strides = [1, 1]} : vector<8192x256xf32> to vector<8192x64xf32>
    %reshape3A_113 = vector.shape_cast %slice3A_112 : vector<8192x64xf32> to vector<512x16x64xf32>
    %slice3A_114 = vector.extract_strided_slice %add3A_32 {offsets = [0, 192], sizes = [8192, 64], strides = [1, 1]} : vector<8192x256xf32> to vector<8192x64xf32>
    %reshape3A_115 = vector.shape_cast %slice3A_114 : vector<8192x64xf32> to vector<512x16x64xf32>
    %broadcast_in_dim3A_116 = vector.shape_cast %slice3A_111 : vector<512x64xf32> to vector<512x1x64xf32>
    %mul3A_117 = vector.broadcast %broadcast_in_dim3A_116 : vector<512x1x64xf32> to vector<512x16x64xf32>
    %mul3A_118 = arith.mulf %mul3A_117, %reshape3A_113 : vector<512x16x64xf32>
    %reduce_sum3A_119 = arith.constant dense<0.000000e+00> : vector<512x16xf32>
    %reduce_sum3A_120 = vector.multi_reduction <add>, %mul3A_118, %reduce_sum3A_119 [2] : vector<512x16x64xf32> to vector<512x16xf32>
    %mul3A_121 = arith.constant 1.250000e-01 : f32
    %mul3A_122 = vector.broadcast %mul3A_121 : f32 to vector<512x16xf32>
    %mul3A_123 = arith.mulf %reduce_sum3A_120, %mul3A_122 : vector<512x16xf32>
    %reduce_max3A_124 = arith.constant dense<0xFF800000> : vector<512xf32>
    %reduce_max3A_125 = vector.multi_reduction <maximumf>, %mul3A_123, %reduce_max3A_124 [1] : vector<512x16xf32> to vector<512xf32>
    %broadcast_in_dim3A_126 = vector.shape_cast %reduce_max3A_125 : vector<512xf32> to vector<512x1xf32>
    %sub3A_127 = vector.broadcast %broadcast_in_dim3A_126 : vector<512x1xf32> to vector<512x16xf32>
    %sub3A_128 = arith.subf %mul3A_123, %sub3A_127 : vector<512x16xf32>
    %exp3A_129 = math.exp %sub3A_128 : vector<512x16xf32>
    %reduce_sum3A_130 = arith.constant dense<0.000000e+00> : vector<512xf32>
    %reduce_sum3A_131 = vector.multi_reduction <add>, %exp3A_129, %reduce_sum3A_130 [1] : vector<512x16xf32> to vector<512xf32>
    %broadcast_in_dim3A_132 = vector.shape_cast %reduce_sum3A_131 : vector<512xf32> to vector<512x1xf32>
    %div3A_133 = vector.broadcast %broadcast_in_dim3A_132 : vector<512x1xf32> to vector<512x16xf32>
    %div3A_134 = arith.divf %exp3A_129, %div3A_133 : vector<512x16xf32>
    %broadcast_in_dim3A_135 = vector.shape_cast %div3A_134 : vector<512x16xf32> to vector<512x16x1xf32>
    %mul3A_136 = vector.broadcast %broadcast_in_dim3A_135 : vector<512x16x1xf32> to vector<512x16x64xf32>
    %mul3A_137 = arith.mulf %mul3A_136, %reshape3A_115 : vector<512x16x64xf32>
    %reduce_sum3A_138 = arith.constant dense<0.000000e+00> : vector<512x64xf32>
    %reduce_sum3A_139 = vector.multi_reduction <add>, %mul3A_137, %reduce_sum3A_138 [1] : vector<512x16x64xf32> to vector<512x64xf32>
    %concatenate3A = tpu.concatenate %reduce_sum3A_52, %reduce_sum3A_81, %reduce_sum3A_110, %reduce_sum3A_139 in 1 : vector<512x64xf32>, vector<512x64xf32>, vector<512x64xf32>, vector<512x64xf32> -> vector<512x256xf32>
    %get3A_140 = arith.constant 0 : index
    %get3A_141 = arith.constant 0 : index
    %get3A_142 = vector.load %arg8[%get3A_140, %get3A_141] : memref<256x256xf32, #tpu.memory_space<vmem>>, vector<256x256xf32>
    %dot_general3A_143 = arith.constant dense<0.000000e+00> : vector<512x256xf32>
    %dot_general3A_144 = tpu.matmul %concatenate3A, %get3A_142, %dot_general3A_143 {dimension_numbers = #tpu.dot_dimension_numbers<[1], [1], [0], [0], [0, 0, 1, 0], [], []>, transpose_lhs_hint = false} : vector<512x256xf32>, vector<256x256xf32>, vector<512x256xf32> -> vector<512x256xf32>
    %get3A_145 = arith.constant 0 : index
    %get3A_146 = arith.constant 0 : index
    %get3A_147 = vector.load %arg9[%get3A_145, %get3A_146] : memref<1x256xf32, #tpu.memory_space<vmem>>, vector<1x256xf32>
    %add3A_148 = vector.broadcast %get3A_147 : vector<1x256xf32> to vector<512x256xf32>
    %add3A_149 = arith.addf %dot_general3A_144, %add3A_148 : vector<512x256xf32>
    %get3A_150 = arith.constant 0 : index
    %get3A_151 = arith.constant 0 : index
    %get3A_152 = vector.load %arg10[%get3A_150, %get3A_151] : memref<256x256xf32, #tpu.memory_space<vmem>>, vector<256x256xf32>
    %dot_general3A_153 = arith.constant dense<0.000000e+00> : vector<512x256xf32>
    %dot_general3A_154 = tpu.matmul %add3A_149, %get3A_152, %dot_general3A_153 {dimension_numbers = #tpu.dot_dimension_numbers<[1], [1], [0], [0], [0, 0, 1, 0], [], []>, transpose_lhs_hint = false} : vector<512x256xf32>, vector<256x256xf32>, vector<512x256xf32> -> vector<512x256xf32>
    %get3A_155 = arith.constant 0 : index
    %get3A_156 = arith.constant 0 : index
    %get3A_157 = vector.load %arg11[%get3A_155, %get3A_156] : memref<1x256xf32, #tpu.memory_space<vmem>>, vector<1x256xf32>
    %add3A_158 = vector.broadcast %get3A_157 : vector<1x256xf32> to vector<512x256xf32>
    %add3A_159 = arith.addf %dot_general3A_154, %add3A_158 : vector<512x256xf32>
    %max3A = arith.constant 0.000000e+00 : f32
    %max3A_160 = vector.broadcast %max3A : f32 to vector<512x256xf32>
    %max3A_161 = arith.maximumf %add3A_159, %max3A_160 : vector<512x256xf32>
    %get3A_162 = arith.constant 0 : index
    %get3A_163 = arith.constant 0 : index
    %get3A_164 = vector.load %arg12[%get3A_162, %get3A_163] : memref<256x256xf32, #tpu.memory_space<vmem>>, vector<256x256xf32>
    %dot_general3A_165 = arith.constant dense<0.000000e+00> : vector<512x256xf32>
    %dot_general3A_166 = tpu.matmul %max3A_161, %get3A_164, %dot_general3A_165 {dimension_numbers = #tpu.dot_dimension_numbers<[1], [1], [0], [0], [0, 0, 1, 0], [], []>, transpose_lhs_hint = false} : vector<512x256xf32>, vector<256x256xf32>, vector<512x256xf32> -> vector<512x256xf32>
    %get3A_167 = arith.constant 0 : index
    %get3A_168 = arith.constant 0 : index
    %get3A_169 = vector.load %arg13[%get3A_167, %get3A_168] : memref<1x256xf32, #tpu.memory_space<vmem>>, vector<1x256xf32>
    %add3A_170 = vector.broadcast %get3A_169 : vector<1x256xf32> to vector<512x256xf32>
    %add3A_171 = arith.addf %dot_general3A_166, %add3A_170 : vector<512x256xf32>
    %swap3A = arith.constant 0 : index
    %swap3A_172 = arith.constant 0 : index
    %swap3A_173 = vector.load %arg14[%swap3A, %swap3A_172] : memref<512x256xf32, #tpu.memory_space<vmem>>, vector<512x256xf32>
    tpu.vector_store %arg14[%swap3A, %swap3A_172], %add3A_171 {strides = array<i32>} : memref<512x256xf32, #tpu.memory_space<vmem>>, vector<512x256xf32>,
    return
  }
}

</mosaic_0001>

<sc_bundles>
// kernel: kernel.5.cloned.1.call-start
scs
__scs_entry_jumppad:
0x0: {  	(pc) =	sbr.rel $0x88, $3  }
0x1: {  	(tag) =	ssettag $0x0;
	lr =	simm.s32 $0x1  }
0x2: {  	[smem:$0x3F93] =	sst lr;
	_ =	strace $0xD0000000  }
0x3: {  	_ = 	snop  }
0x4: {  	_ = 	snop  }
0x5: {  	_ = 	snop  }
0x6: {  	_ = 	snop  }
0x7: {  	_ = 	snop  }
__scs_overlays_trampoline_lowered:
0x8: {  	[smem:$0x3FA2] =	sst s0  }
0x9: {  	[smem:$0x3FA3] =	sst s1  }
0xa: {  	[smem:$0x3FA4] =	sst s2  }
0xb: {  	[smem:$0x3FA5] =	sst s3  }
0xc: {  	[smem:$0x3FA6] =	sst s4  }
0xd: {  	[smem:$0x3FA7] =	sst s5  }
0xe: {  	[smem:$0x3FA8] =	sst s6  }
0xf: {  	[smem:$0x3FA9] =	sst s7  }
0x10: {  	[smem:$0x3FAA] =	sst s8  }
0x11: {  	[smem:$0x3FAB] =	sst s9;
	s0 =	simm.s32 @!p0 $0x0  }
0x12: {  	s1 =	sld [smem:$0x3F91];
	s0 =	simm.s32 @p0 $0x1  }
0x13: {  	[smem:$0x3FAC] =	sst s0;
	s0 =	simm.s32 @!p1 $0x0  }
0x14: {  	s2 =	sld [smem:$0x3F90];
	s0 =	simm.s32 @p1 $0x1  }
0x15: {  	[smem:$0x3FAD] =	sst s0;
	s0 =	simm.s32 @!p2 $0x0  }
0x16: {  	s3 =	sld [smem:$0x3FDB];
	s0 =	simm.s32 @p2 $0x1  }
0x17: {  	s4 =	simm.s32 $0x1BF5;
	[smem:$0x3FAF] =	sst s0  }
0x18: {  	s0 =	sld [smem:$0x3F92];
	_ =	swait.ge [sflag:s4], $0x0  }
0x19: {  	s7 =	sld [smem:$0x3F93]  }
0x1a: {  	s8 =	sadd.s32 $0xFFFFE003, lr  }
0x1b: {  	s9 =	sadd.s32 $0xFFFFFEF7, lr;
	s5 =	simm.s32 $0xFFFFFFFF;
	p2 =	slt.u32 s8, $0xFFFFF086  }
0x1c: {  	p1 =	slt.u32 s9, $0xF7A;
	s5 =	simm.s32 @!p2 $0x0  }
0x1d: {  	s5 =	simm.s32 @p1 $0x1;
	p0 =	seq.s32 s7, s2  }
0x1e: {  	s7 =	smul.u32 @!p0 $0xF7A, s2;
	p2 =	seq.s32 @!p0 s5, $0x0  }
0x1f: {  	s9 =	smul.u32 $0xF7A, s1;
	s8 =	simm.s32 @!p0 $0x1BF5;
	p2 =	por !p2, p0  }
0x20: {  	[sflag:s8] =	ssyncset.s32 @!p0 $0xFFFFF086;
	s6 =	sadd.s32 @!p0 s3, s7;
	s7 =	simm.s32 @!p0 $0x108  }
0x21: {  	s3 =	sadd.s32 s3, s9;
	s6 =	sadd.s32 @!p0 $0x88, s6;
	s7 =	simm.s32 @p2 $0x1082  }
0x22: {  	[simem:s7], [sflag:s8] =	dma.local @!p0 [hbm:s6], $0xF7A  }
0x23: {  	s9 =	sor.u32 $0xD0000000, s2;
	s6 =	simm.s32 $0x108;
	_ =	swait.ge @!p0 [sflag:s8], $0x0  }
0x24: {  	s3 =	sadd.s32 $0x88, s3;
	s6 =	simm.s32 @!p1 $0x1082;
	[sflag:s4] =	ssyncset.s32 $0xFFFFF086  }
0x25: {  	[simem:s6], [sflag:s4] =	dma.local [hbm:s3], $0xF7A  }
0x26: {  	[smem:$0x3F93] =	sst s1;
	(tag) =	ssettag s2;
	_ =	strace s9  }
0x27: {  	s1 =	sld [smem:$0x3FA3]  }
0x28: {  	s2 =	sld [smem:$0x3FA4]  }
0x29: {  	s4 =	sld [smem:$0x3FA6]  }
0x2a: {  	p0 =	seq.s32 s5, $0x0;
	s5 =	sld [smem:$0x3FA7]  }
0x2b: {  	s6 =	sld [smem:$0x3FA8]  }
0x2c: {  	s7 =	sld [smem:$0x3FA9]  }
0x2d: {  	s3 =	simm.s32 $0x108;
	s8 =	sld [smem:$0x3FAA]  }
0x2e: {  	s3 =	simm.s32 @!p0 $0x1082;
	s9 =	sld [smem:$0x3FAB]  }
0x2f: {  	lr =	sadd.s32 s0, s3;
	s0 =	sld [smem:$0x3FA2]  }
0x30: {  	s3 =	sld [smem:$0x3FA5]  }
0x31: {  	[smem:$0x3FAE] =	sst s10  }
0x32: {  	s10 =	sld [smem:$0x3FAC];
	_ =	sdelay $0x3  }
0x33: {  	p0 =	seq.s32 s10, $0x1;
	s10 =	sld [smem:$0x3FAE];
	_ =	sdelay $0x3  }
0x34: {  	[smem:$0x3FAE] =	sst s10  }
0x35: {  	s10 =	sld [smem:$0x3FAD];
	_ =	sdelay $0x3  }
0x36: {  	p1 =	seq.s32 s10, $0x1;
	s10 =	sld [smem:$0x3FAE];
	_ =	sdelay $0x3  }
0x37: {  	[smem:$0x3FAE] =	sst s10  }
0x38: {  	s10 =	sld [smem:$0x3FAF]  }
0x39: {  	_ = 	snop;
	(pc) =	sbr.ind lr, $3  }
0x3a: {  	_ = 	snop  }
0x3b: {  	_ = 	snop  }
0x3c: {  	p2 =	seq.s32 s10, $0x1;
	s10 =	sld [smem:$0x3FAE]  }
0x3d: {  	_ =	shalt  }
0x3e: {  	_ =	shalt  }
0x3f: {  	_ =	shalt  }
0x40: {  	_ =	shalt  }
0x41: {  	_ =	shalt  }
0x42: {  	_ =	shalt  }
0x43: {  	_ =	shalt  }
0x44: {  	_ =	shalt  }
0x45: {  	_ =	shalt  }
0x46: {  	_ =	shalt  }
0x47: {  	_ =	shalt  }
0x48: {  	_ =	shalt  }
0x49: {  	_ =	shalt  }
0x4a: {  	_ =	shalt  }
0x4b: {  	_ =	shalt  }
0x4c: {  	_ =	shalt  }
0x4d: {  	_ =	shalt  }
0x4e: {  	_ =	shalt  }
0x4f: {  	_ =	shalt  }
0x50: {  	_ =	shalt  }
0x51: {  	_ =	shalt  }
0x52: {  	_ =	shalt  }
0x53: {  	_ =	shalt  }
0x54: {  	_ =	shalt  }
0x55: {  	_ =	shalt  }
0x56: {  	_ =	shalt  }
0x57: {  	_ =	shalt  }
0x58: {  	_ =	shalt  }
0x59: {  	_ =	shalt  }
0x5a: {  	_ =	shalt  }
0x5b: {  	_ =	shalt  }
0x5c: {  	_ =	shalt  }
0x5d: {  	_ =	shalt  }
0x5e: {  	_ =	shalt  }
0x5f: {  	_ =	shalt  }
0x60: {  	_ =	shalt  }
0x61: {  	_ =	shalt  }
0x62: {  	_ =	shalt  }
0x63: {  	_ =	shalt  }
0x64: {  	_ =	shalt  }
0x65: {  	_ =	shalt  }
0x66: {  	_ =	shalt  }
0x67: {  	_ =	shalt  }
0x68: {  	_ =	shalt  }
0x69: {  	_ =	shalt  }
0x6a: {  	_ =	shalt  }
0x6b: {  	_ =	shalt  }
0x6c: {  	_ =	shalt  }
0x6d: {  	_ =	shalt  }
0x6e: {  	_ =	shalt  }
0x6f: {  	_ =	shalt  }
0x70: {  	_ =	shalt  }
0x71: {  	_ =	shalt  }
0x72: {  	_ =	shalt  }
0x73: {  	_ =	shalt  }
0x74: {  	_ =	shalt  }
0x75: {  	_ =	shalt  }
0x76: {  	_ =	shalt  }
0x77: {  	_ =	shalt  }
0x78: {  	_ =	shalt  }
0x79: {  	_ =	shalt  }
0x7a: {  	_ =	shalt  }
0x7b: {  	_ =	shalt  }
0x7c: {  	_ =	shalt  }
0x7d: {  	_ =	shalt  }
0x7e: {  	_ =	shalt  }
0x7f: {  	_ =	shalt  }
0x80: {  	_ =	shalt  }
0x81: {  	_ =	shalt  }
0x82: {  	_ =	shalt  }
0x83: {  	_ =	shalt  }
0x84: {  	_ =	shalt  }
0x85: {  	_ =	shalt  }
0x86: {  	_ =	shalt  }
0x87: {  	_ =	shalt  }
.Lfunc_end0:
.L_simem_size_0:
called_computation_lowered:
.L_overlay_start_0:
0x88: {  	s2 =	sld [smem:$0x3FD9]  }
0x89: {  	s3 =	sld [smem:$0x3FFE];
	_ =	sdelay $0x1  }
0x8a: {  	s1 =	srdreg.scid  }
0x8b: {  	s0 =	sand.u32 $0x1, s1  }
0x8c: {  	s17 =	sshll.u32 s0, $0xA;
	s2 =	sadd.s32 s3, s2  }
0x8d: {  	s2 =	sadd.s32 s2, s17  }
0x8e: {  	[smem:$0x3FBA] =	sst s2  }
0x8f: {  	_ = 	snop  }
0x90: {  	s2 =	sld [smem:$0x3FC8]  }
0x91: {  	s18 =	sld [smem:$0x3FD0];
	(tm) =	ssettm $0x1  }
0x92: {  	s4 =	sld [smem:$0x3FFB];
	_ =	sdelay $0x3  }
0x93: {  	_ =	strace s4  }
0x94: {  	s4 =	sld [smem:$0x3FFC];
	_ =	sdelay $0x3  }
0x95: {  	_ =	strace s4  }
0x96: {  	s4 =	sld [smem:$0x3FFD];
	_ =	sdelay $0x3  }
0x97: {  	_ =	strace s4  }
0x98: {  	_ =	strace $0x8FFFFFFF  }
0x99: {  	s19 =	sld [smem:$0x3FDB];
	_ =	sdelay $0x1  }
0x9a: {  	s5 =	simm.s32 $_scs_section_size  }
0x9b: {  	s6 =	simm.s32 $_size__tile_overlayer_lowered;
	s7 =	simm.s32 $_tile_overlayer_lowered  }
0x9c: {  	s22 =	simm.s32 $0x1BFF;
	s21 =	sshll.u32 s7, $0x1;
	s4 =	sadd.s32 s5, s19  }
0x9d: {  	s8 =	simm.s32 $0x0;
	s20 =	sshll.u32 s6, $0x1;
	s6 =	sadd.s32 s21, s4  }
0x9e: {  	[timem:s8], [sflag:s22] =	dma.local [hbm:s6], s20  }
0x9f: {  	_ =	swait.ge [sflag:s22], s20  }
0xa0: {  	s5 =	ssub.s32 $0x0, s20;
	[sflag:s22] =	ssyncset.done $0x0  }
0xa1: {  	[sflag:s22] =	ssyncadd.s32 s5;
	_ =	sdelay $0x1  }
0xa2: {  	s23 =	simm.s32 $0x1B8B  }
0xa3: {  	_ =	swait.ge [sflag:s23], $0x1  }
0xa4: {  	[sflag:s23] =	ssyncset.done $0x0  }
0xa5: {  	s25 =	simm.s32 $0x1B8E;
	s24 =	sld [smem:$0x3FFE];
	[sflag:s23] =	ssyncadd.s32 $0xFFFFFFFF  }
0xa6: {  	s26 =	simm.s32 $execute0_lowered;
	[smem:$0x3FD2] =	sst s25  }
0xa7: {  	s6 =	sshll.u32 s26, $0x1;
	_ =	strace $0x80000046;
	[dreg:$0x1] =	wrdreg $0xFFFFFFFF  }
0xa8: {  	s28 =	simm.s32 $_size_execute0_lowered;
	s4 =	sadd.s32 s4, s6;
	[dreg:$0x0] =	wrdreg $0x0  }
0xa9: {  	s6 =	sshll.u32 s28, $0x1;
	[dreg:$0x2] =	wrdreg s4  }
0xaa: {  	[dreg:$0x3] =	wrdreg s6  }
0xab: {  	[dreg:$0x4] =	wrdreg $0xC0  }
0xac: {  	_ =	task [dreg:s8], $0x5FFFF  }
0xad: {  	[dreg:$0x1] =	wrdreg $0xFFFFFFFF  }
0xae: {  	[dreg:$0x0] =	wrdreg $0x60  }
0xaf: {  	[dreg:$0x2] =	wrdreg s18  }
0xb0: {  	[dreg:$0x3] =	wrdreg s24  }
0xb1: {  	[dreg:$0x4] =	wrdreg s2  }
0xb2: {  	[dreg:$0x5] =	wrdreg $0x9  }
0xb3: {  	_ =	task.clear_ibuf [dreg:s8], $0x6FFFF;
	_ =	strace $0x90000046  }
0xb4: {  	s29 =	simm.s32 $0x9;
	_ =	strace $0x80000048  }
0xb5: {  	_ =	swait.ge [sflag:s29], $0x1  }
0xb6: {  	[sflag:s29] =	ssyncadd.s32 $0xFFFFFFFF  }
0xb7: {  	_ =	strace $0x90000048  }
0xb8: {  	_ =	sfence  }
0xb9: {  	s30 =	sld [smem:$0x0];
	_ =	sdelay $0x2  }
0xba: {  	s31 =	sshll.u32 s1, $0xD;
	s1 =	sshrl.u32 s1, $0x2  }
0xbb: {  	s3 =	sand.u32 $0x4000, s31;
	s1 =	sadd.s32 s1, s30  }
0xbc: {  	s0 =	sor.u32 s3, s0;
	s1 =	sshll.u32 s1, $0x11  }
0xbd: {  	s0 =	sor.u32 s1, s0  }
0xbe: {  	s0 =	sadd.s32 $0x8F2B, s0  }
0xbf: {  	[sflag:s0] =	ssyncadd.remote.s32 $0x1  }
0xc0: {  	_ =	sfence.sel $0xFFFF  }
0xc1: {  	[dreg:$0x0] =	wrdreg $0xFFFFFFFF;
	(pc) =	sbr.abs _section_cstart, $3  }
0xc2: {  	[dreg:$0x1] =	wrdreg $0xFFFFFFFF  }
0xc3: {  	_ =	task.clear_ibuf [dreg:s8], $0x2FFFF;
	_ =	strace $0x9FFFFFFF  }
0xc4: {  	(tm) =	ssettm $0x7FFFFFFF  }
0xc5: {  	_ =	shalt  }
tec
execute0_lowered:
.L_overlay_start_1:
0x0: {  	(tag) =	ssettag $0x1  }
0x1: {  	s1 =	rddreg [dreg:$0x0]  }
0x2: {  	s8 =	rddreg [dreg:$0x1]  }
0x3: {  	s2 =	rddreg [dreg:$0x2];
	s3 =	simm.s32 $0x0  }
0x4: {  	s4 =	srdreg.scid;
	s0 =	stileid.u32;
	s11 =	simm.s32 $0x400  }
0x5: {  	s12 =	simm.s32 $0x2;
	s13 =	simm.s32 $0x180;
	s14 =	simm.s32 $0x980  }
0x6: {  	s15 =	simm.s32 $0x1180;
	s16 =	simm.s32 $0x1980;
	s17 =	simm.s32 $0x1  }
0x7: {  	s18 =	simm.s32 $0x2180;
	s19 =	simm.s32 $0x2280;
	s20 =	simm.s32 $0x2A80  }
0x8: {  	s21 =	simm.s32 $0x0;
	[smem:$0x7FF] =	sst s3;
	s7 =	sand.u32 $0x1, s4  }
0x9: {  	v0 =	vlaneseq.u32;
	s5 =	sadd.s32 $0x621A00, s8;
	s6 =	sadd.s32 $0x1A00, s8;
	s9 =	ssub.s32 $0x2, s7  }
0xa: {  	vm0 =	vmmov $0xffff;
	s31 =	sshll.u32 s0, $0x5;
	s8 =	sadd.s32 $0x621B00, s8;
	v1 =	vmul.u32 $0xFFFFFFFF, v0;
	s10 =	sshrl.u32 s9, $0x1  }
0xb: {  	v5 =	vimm.f32 $0.0e+00;
	v3 =	vshrl.u32 v0, $0x3;
	v2 =	vand.u32 $0x7, v0;
	_ =	strace $0x80000047;
	s7 =	sshll.u32 s7, $0x4;
	s9 =	ssub.s32 s9, s10  }
0xc: {  	v4 =	vor.u32 $0x8, v0;
	v3 =	vmul.u32 $0x8, v3;
	s7 =	sor.u32 s7, s31;
	v1 =	vadd.s32 $0xF, v1;
	s10 =	simm.s32 $0x80;
	s9 =	smax.u32 s9, $0x1  }
.LBB2_1:
0xd: {  	s22 =	simm.s32 $0x0  }
.LBB2_2:
0xe: {  	s23 =	sadd.s32 s7, s22;
	s24 =	sshll.u32 s22, $0x4  }
0xf: {  	s25 =	sshll.u32 s23, $0x5;
	s24 =	sand.u32 $0x70, s24  }
0x10: {  	s25 =	sand.u32 $0x3F00, s25;
	s24 =	sadd.s32 s1, s24  }
0x11: {  	s30 =	simm.s32 $0x0;
	s24 =	sadd.s32 s25, s24  }
0x12: {  	[tilespmem:s30], [sflag:$0x2] =	stream.strided.gather [hbm4b:s24+s10], $0x100, s11, s10, $0x38;
	[tilespmem:$0x3280] =	vst v63  }
0x13: {  	_ =	swait.ge [sflag:s12], $0x100  }
0x14: {  	[sflag:s12] =	ssyncset.done $0x0  }
0x15: {  	[sflag:s12] =	ssyncadd.s32 $0xFFFFFF00  }
0x16: {  	v6 =	vld [tilespmem:s30+$0x0];
	_ =	sdelay $0x3  }
0x17: {  	v7 =	vor.u32 s30, v0  }
0x18: {  	(xrf1) =	vsort.ascd.msk.f32 $0xffff, v6, v7;
	_ =	sdelay $0xa  }
0x19: {  	s31 =	simm.s32 $0x10  }
0x1a: {  	v6 =	vld [tilespmem:s31+$0x0];
	_ =	sdelay $0x1  }
0x1b: {  	v7, v8, _ =	vpop (xrf1)  }
0x1c: {  	v7 =	vperm.xlane v7, v1  }
0x1d: {  	v9 =	vimm.f32 $+Inf;
	v11 =	vor.u32 s31, v0;
	v8 =	vperm.xlane v8, v1  }
0x1e: {  	v10 =	vimm.s32 $0x0;
	(xrf1) =	vsort.ascd.msk.f32 $0xffff, v6, v11;
	vm1 =	vle.f32 v9, v7  }
0x1f: {  	v6 =	vsel vm1, v9, v7;
	v7 =	vsel vm1, v10, v8  }
0x20: {  	(xrf1) =	vsort.ascd.msk.f32 $0xffff, v6, v7;
	_ =	sdelay $0x8  }
0x21: {  	s24 =	simm.s32 $0x20  }
0x22: {  	s26 =	simm.s32 $0x20;
	s25 =	simm.s32 $0x30;
	v6 =	vld [tilespmem:s24+$0x0]  }
.LBB2_3:
0x23: {  	p0 =	sne.s32 s25, $0xC0  }
0x24: {  	v7, v8, _ =	vpop (xrf1)  }
0x25: {  	v7 =	vperm.xlane v7, v1  }
0x26: {  	v9 =	vor.u32 s24, v0;
	s24 =	smov.u32 s25;
	v8 =	vperm.xlane v8, v1;
	v10, v11, _ =	vpop (xrf1)  }
0x27: {  	(xrf1) =	vsort.ascd.msk.f32 $0xffff, v6, v9;
	vm1 =	vle.f32 v10, v7  }
0x28: {  	v6 =	vsel vm1, v10, v7;
	v7 =	vsel vm1, v11, v8  }
0x29: {  	(xrf1) =	vsort.ascd.msk.f32 $0xffff, v6, v7;
	_ =	sdelay $0x5  }
.Ltmp0:
0x2a: {  	(pc) =	sbr.rel @p0 .LBB2_3-.Ltmp0, $3  }
0x2b: {  	_ =	sdelay $0x1  }
0x2c: {  	s26 =	sadd.s32 $0x10, s26  }
0x2d: {  	s25 =	sadd.s32 $0x10, s25;
	v6 =	vld [tilespmem:s26+$0x0]  }
0x2e: {  	_ = 	snop  }
0x2f: {  	v7, v8, _ =	vpop (xrf1)  }
0x30: {  	v7 =	vperm.xlane v7, v1  }
0x31: {  	v9 =	vor.u32 s24, v0;
	v8 =	vperm.xlane v8, v1;
	v10, v11, _ =	vpop (xrf1)  }
0x32: {  	(xrf1) =	vsort.ascd.msk.f32 $0xffff, v6, v9;
	vm1 =	vle.f32 v10, v7  }
0x33: {  	v6 =	vsel vm1, v10, v7;
	v7 =	vsel vm1, v11, v8  }
0x34: {  	(xrf1) =	vsort.ascd.msk.f32 $0xffff, v6, v7;
	_ =	sdelay $0xb  }
0x35: {  	v6, v7, _ =	vpop (xrf1)  }
0x36: {  	v6 =	vperm.xlane v6, v1  }
0x37: {  	v7 =	vperm.xlane v7, v1;
	v8, v62, _ =	vpop (xrf1)  }
0x38: {  	vm1 =	vle.f32 v8, v6  }
0x39: {  	v6 =	vsel vm1, v8, v6;
	v7 =	vsel vm1, v62, v7  }
0x3a: {  	(xrf1) =	vsort.ascd.msk.f32 $0xffff, v6, v7;
	_ =	sdelay $0xc  }
0x3b: {  	s31 =	smul.u32 $0xC4, s23  }
0x3c: {  	v6, v7, _ =	vpop (xrf1)  }
0x3d: {  	v6 =	vadd.s32 s31, v7  }
0x3e: {  	v8 =	vshll.u32 v6, $0x2  }
0x3f: {  	v63 =	vand.u32 $0x7, v6;
	v8 =	vand.u32 $0xFFFFFFE0, v8  }
0x40: {  	v8 =	vor.u32 v63, v8  }
0x41: {  	v9 =	vperm.xlane v8, v2;
	_ =	sdelay $0x1  }
0x42: {  	v9 =	vadd.s32 v3, v9;
	_ =	sdelay $0x1  }
0x43: {  	v8 =	vperm.xlane v8, v4  }
0x44: {  	[tilespmem:$0x2180] =	vst v7  }
0x45: {  	s24 =	simm.s32 $0x0;
	[tilespmem:$0x100] =	vst v6;
	v6 =	vadd.s32 v3, v8  }
0x46: {  	[tilespmem:s13], [sflag:$0x1] =	stream.indirect_vreg.gather [hbm4b:s5+s24], $0x80, v9, vm0, $0xb8;
	[tilespmem:$0x3280] =	vst v63  }
0x47: {  	_ = 	snop  }
0x48: {  	[tilespmem:s14], [sflag:$0x1] =	stream.indirect_vreg.gather [hbm4b:s8+s24], $0x80, v9, vm0, $0xb8;
	[tilespmem:$0x3280] =	vst v63  }
0x49: {  	_ = 	snop  }
0x4a: {  	[tilespmem:s15], [sflag:$0x1] =	stream.indirect_vreg.gather [hbm4b:s5+s24], $0x80, v6, vm0, $0xb8;
	[tilespmem:$0x3280] =	vst v63  }
0x4b: {  	_ = 	snop  }
0x4c: {  	[tilespmem:s16], [sflag:$0x1] =	stream.indirect_vreg.gather [hbm4b:s8+s24], $0x80, v6, vm0, $0xb8;
	[tilespmem:$0x3280] =	vst v63  }
0x4d: {  	_ =	swait.ge [sflag:s17], $0x2000  }
0x4e: {  	[sflag:s17] =	ssyncset.done $0x0  }
0x4f: {  	s25 =	simm.s32 $0x0;
	s26 =	simm.s32 $0x0;
	v7 =	vimm.f32 $+Inf;
	v6 =	vimm.s32 $0x0;
	[sflag:s17] =	ssyncadd.s32 $0xFFFFE000  }
.LBB2_5:
0x50: {  	s28 =	sshll.u32 s26, $0x9;
	s29 =	sshll.u32 s26, $0x7  }
0x51: {  	s28 =	sand.u32 $0x1000, s28;
	s29 =	sand.u32 $0x380, s29  }
0x52: {  	(xrf0) =	vmax.scan.msk.f32 $0xffff, v7;
	s28 =	sor.u32 s29, s28  }
0x53: {  	s29 =	sand.u32 $0xC00, s24;
	s28 =	sadd.s32 $0x180, s28  }
0x54: {  	s30 =	sand.u32 $0x70, s24;
	s29 =	sadd.s32 s29, s28  }
0x55: {  	s29 =	sadd.s32 s30, s29  }
0x56: {  	v8 =	vld [tilespmem:s29+$0x0];
	_ =	sdelay $0x1  }
0x57: {  	v9, _, _ =	vpop (xrf0)  }
0x58: {  	v9 =	vbroadcast v9, $0xF;
	_ =	sdelay $0x1  }
0x59: {  	vm1 =	vlt.f32 v8, v9  }
0x5a: {  	v9 =	vsel vm1, $0x3F800000, v5  }
0x5b: {  	(xrf0) =	vmax.scan.msk.f32 $0xffff, v9;
	_ =	sdelay $0x5  }
0x5c: {  	v9, _, _ =	vpop (xrf0)  }
0x5d: {  	(v2sf) =	vpush v9, $0xF;
	_ =	sdelay $0xe  }
0x5e: {  	s29 =	spop (v2sf)  }
0x5f: {  	p0 =	sgt.f32 s29, $0.0e+00;
	_ =	sdelay $0x1  }
0x60: {  	s29 =	sadd.s32 @p0 $0x0, s25;
	v9 =	vlaneseq.u32 @p0  }
0x61: {  	v10 =	vor.u32 @p0 s29, v9  }
0x62: {  	(xrf1) =	vsort.ascd.msk.f32 @p0 $0xffff, v8, v10;
	_ =	sdelay $0xb  }
0x63: {  	v8 =	vmul.u32 @p0 $0xFFFFFFFF, v9;
	_ =	sdelay $0x1  }
0x64: {  	v8 =	vadd.s32 @p0 $0xF, v8;
	v9, v10, _ =	vpop @p0 (xrf1)  }
0x65: {  	v9 =	vperm.xlane @p0 v9, v8  }
0x66: {  	v8 =	vperm.xlane @p0 v10, v8  }
0x67: {  	vm1 =	vle.f32 @p0 v7, v9  }
0x68: {  	v9 =	vsel @p0 vm1, v7, v9;
	v8 =	vsel @p0 vm1, v6, v8  }
0x69: {  	(xrf1) =	vsort.ascd.msk.f32 @p0 $0xffff, v9, v8;
	_ =	sdelay $0xd  }
0x6a: {  	v8, v9, _ =	vpop @p0 (xrf1)  }
0x6b: {  	s30 =	simm.s32 $0x0;
	s29 =	simm.s32 $0x10;
	v7 =	vpsel p0, v8, v7;
	v6 =	vpsel p0, v9, v6  }
.LBB2_6:
0x6c: {  	(xrf0) =	vmax.scan.msk.f32 $0xffff, v7;
	s30 =	sadd.s32 $0x80, s30;
	s31 =	smov.u32 s29;
	s29 =	sadd.s32 $0x10, s29  }
0x6d: {  	s0 =	sand.u32 $0xC00, s30;
	p0 =	sne.s32 s29, $0x200  }
0x6e: {  	s4 =	sand.u32 $0x70, s31;
	s0 =	sadd.s32 s0, s28  }
0x6f: {  	s0 =	sadd.s32 s4, s0  }
0x70: {  	v8 =	vld [tilespmem:s0+$0x0];
	_ =	sdelay $0x1  }
0x71: {  	v9, _, _ =	vpop (xrf0)  }
0x72: {  	v9 =	vbroadcast v9, $0xF;
	_ =	sdelay $0x1  }
0x73: {  	vm1 =	vlt.f32 v8, v9  }
0x74: {  	v9 =	vsel vm1, $0x3F800000, v5  }
0x75: {  	(xrf0) =	vmax.scan.msk.f32 $0xffff, v9;
	_ =	sdelay $0x5  }
0x76: {  	v9, _, _ =	vpop (xrf0)  }
0x77: {  	(v2sf) =	vpush v9, $0xF;
	_ =	sdelay $0xe  }
0x78: {  	s0 =	spop (v2sf)  }
0x79: {  	p1 =	sgt.f32 s0, $0.0e+00;
	_ =	sdelay $0x1  }
0x7a: {  	s0 =	sadd.s32 @p1 s31, s25;
	v9 =	vlaneseq.u32 @p1  }
0x7b: {  	v10 =	vor.u32 @p1 s0, v9  }
0x7c: {  	(xrf1) =	vsort.ascd.msk.f32 @p1 $0xffff, v8, v10;
	_ =	sdelay $0xb  }
0x7d: {  	v8 =	vmul.u32 @p1 $0xFFFFFFFF, v9;
	_ =	sdelay $0x1  }
0x7e: {  	v8 =	vadd.s32 @p1 $0xF, v8;
	v9, v10, _ =	vpop @p1 (xrf1)  }
0x7f: {  	v9 =	vperm.xlane @p1 v9, v8;
	v8 =	vperm.xlane @p1 v10, v8;
	_ =	sdelay $0x1  }
0x80: {  	vm1 =	vle.f32 @p1 v7, v9  }
0x81: {  	v9 =	vsel @p1 vm1, v7, v9;
	v8 =	vsel @p1 vm1, v6, v8  }
0x82: {  	(xrf1) =	vsort.ascd.msk.f32 @p1 $0xffff, v9, v8;
	_ =	sdelay $0xa  }
.Ltmp1:
0x83: {  	(pc) =	sbr.rel @p0 .LBB2_6-.Ltmp1, $3  }
0x84: {  	_ =	sdelay $0x1  }
0x85: {  	v8, v9, _ =	vpop @p1 (xrf1)  }
0x86: {  	v7 =	vpsel p1, v8, v7;
	v6 =	vpsel p1, v9, v6  }
0x87: {  	s26 =	sadd.s32 $0x1, s26  }
0x88: {  	p0 =	sne.s32 s26, $0x10  }
.Ltmp2:
0x89: {  	_ = 	snop;
	(pc) =	sbr.rel @p0 .LBB2_5-.Ltmp2, $2  }
0x8a: {  	_ =	sdelay $0x2  }
0x8b: {  	s25 =	sadd.s32 $0x200, s25  }
0x8c: {  	v7 =	vshrl.u32 v6, $0x9;
	_ =	sdelay $0x4  }
0x8d: {  	v7 =	vld.idx.msk [tilespmem:v7+s18+$0x0], $0xffff;
	_ =	sdelay $0x4  }
0x8e: {  	v8 =	vand.u32 $0x1FF, v6;
	v7 =	vshll.u32 v7, $0x9  }
0x8f: {  	v7 =	vor.u32 v8, v7  }
0x90: {  	v8 =	vshll.u32 v7, $0x1  }
0x91: {  	v6 =	vand.u32 $0x7, v6;
	v8 =	vand.u32 $0xFFFFFFF0, v8  }
0x92: {  	v6 =	vor.u32 v6, v8  }
0x93: {  	v8 =	vperm.xlane v6, v2;
	_ =	sdelay $0x1  }
0x94: {  	v6 =	vperm.xlane v6, v4;
	v8 =	vadd.s32 v3, v8;
	_ =	sdelay $0x1  }
0x95: {  	v6 =	vadd.s32 v3, v6;
	_ =	sdelay $0x1  }
0x96: {  	[tilespmem:$0x2200] =	vst v7  }
0x97: {  	[tilespmem:s19], [sflag:$0x1] =	stream.indirect_vreg.gather [hbm4b:s2+s3], $0x80, v8, vm0, $0xb8;
	[tilespmem:$0x3280] =	vst v63  }
0x98: {  	_ = 	snop  }
0x99: {  	[tilespmem:s20], [sflag:$0x1] =	stream.indirect_vreg.gather [hbm4b:s2+s3], $0x80, v6, vm0, $0xb8;
	[tilespmem:$0x3280] =	vst v63  }
0x9a: {  	s22 =	sadd.s32 $0x1, s22;
	_ =	swait.ge [sflag:s17], $0x1000  }
0x9b: {  	s0 =	sshll.u32 s23, $0x9;
	p0 =	sne.s32 s22, $0x10;
	[sflag:s17] =	ssyncset.done $0x0  }
.Ltmp3:
0x9c: {  	s0 =	sadd.s32 s6, s0;
	[sflag:s17] =	ssyncadd.s32 $0xFFFFF000;
	(pc) =	sbr.rel @p0 .LBB2_2-.Ltmp3, $4  }
0x9d: {  	[hbm4b:s0+s3] =	stream.linear.scatter [tilespmem:s19], [sflag:$0x2], $0x1000, $0x38;
	[tilespmem:$0x3280] =	vst v63  }
0x9e: {  	_ =	swait.ge [sflag:s12], $0x1000  }
0x9f: {  	[sflag:s12] =	ssyncset.done $0x0  }
0xa0: {  	[sflag:s12] =	ssyncadd.s32 $0xFFFFF000  }
0xa1: {  	s21 =	sadd.s32 $0x1, s21  }
0xa2: {  	p0 =	sne.s32 s21, s9  }
.Ltmp4:
0xa3: {  	_ = 	snop;
	(pc) =	sbr.rel @p0 .LBB2_1-.Ltmp4, $1  }
0xa4: {  	_ =	sdelay $0x3  }
0xa5: {  	_ =	sfence.sel $0x180000  }
0xa6: {  	[bflag:$0x0] =	sbarrier.arrive $0xFFFF  }
0xa7: {  	_ =	strace $0x90000047  }
0xa8: {  	s0 =	stileid.u32;
	[bflag:$0x2] =	sbarrier.arrive $0xFFFF  }
0xa9: {  	p0 =	sne.s32 s0, $0x0;
	s0 =	rddreg [dreg:$0x3]  }
0xaa: {  	s0 =	sadd.s32 @!p0 $0x100000, s0  }
0xab: {  	[sflag:s0] =	ssyncadd.tile.s32 @!p0 $0x1;
	_ =	shalt  }
.Lfunc_end2:
_tile_overlayer_lowered:
.L_overlay_start_2:
0xac: {  	(tag) =	ssettag $0x2  }
0xad: {  	s0 =	rddreg [dreg:$0x0];
	s2 =	stileid.u32  }
0xae: {  	s1 =	rddreg [dreg:$0x1];
	p0 =	sne.s32 s2, $0x0  }
0xaf: {  	s3 =	rddreg [dreg:$0x2];
	[bflag:$0x3] =	sbarrier.arrive $0xFFFF;
	s2 =	simm.s32 @!p0 $0x1C02  }
0xb0: {  	[timem:s3], [sflag:s2] =	dma.local @!p0 [hbm:s0], s1  }
0xb1: {  	s0 =	simm.s32 @!p0 $0x2  }
0xb2: {  	_ =	swait.ge @!p0 [sflag:s0], s1  }
0xb3: {  	s1 =	ssub.s32 @!p0 $0x0, s1;
	[sflag:s0] =	ssyncset.done @!p0 $0x0  }
0xb4: {  	[sflag:s0] =	ssyncadd.s32 @!p0 s1  }
0xb5: {  	[bflag:$0x3] =	sbarrier.arrive $0xFFFF  }
0xb6: {  	_ =	shalt  }

</sc_bundles>
